<compile_context>
chip_gen: v7x
topology: tpu7x:2x2x1
jax: 0.10.2.dev20260603
libtpu: 0.0.44.dev20260713+nightly
codegen_flags: <defaults>
</compile_context>

<pallas_src>
import jax
import jax.numpy as jnp
from jax import lax
from jax.experimental import pallas as pl
from jax.experimental.pallas import tpu as pltpu
from jax.experimental.pallas import tpu_sc as plsc

NUM_CLASSES = 26
FEATURE_DIM = 128
BATCH = 16384
NC, NS, L = 2, 16, 16
NW = NC * NS
ROWS_W = BATCH // NW
NSEG = FEATURE_DIM // L
ACC_ROWS = 32
CHUNK = 128
NCH = ROWS_W // CHUNK


def _seg_body(feat_hbm, lab_hbm, out_hbm,
              f0, f1, f2, f3, lab_v, zbuf, acc_sh,
              s0, s1, s2, s3, a0, a1, a2, a3):
    cid = lax.axis_index("c")
    sid = lax.axis_index("s")
    wid = sid * NC + cid
    rbase = wid * ROWS_W
    bufs = (f0, f1, f2, f3)
    sems = (s0, s1, s2, s3)
    a_sems = (a0, a1, a2, a3)
    copies = [
        pltpu.async_copy(feat_hbm.at[pl.ds(rbase + c * CHUNK, CHUNK)],
                         bufs[c], sems[c])
        for c in range(NCH)
    ]
    lab_copies = [
        pltpu.async_copy(lab_hbm.at[pl.ds(rbase + c * CHUNK, CHUNK)],
                         lab_v.at[c], a_sems[c])
        for c in range(NCH)
    ]

    zeros = jnp.zeros((L,), jnp.float32)

    @pl.when(sid < 2)
    def _():
        @plsc.parallel_loop(0, ACC_ROWS)
        def _zero(r):
            for j in range(NSEG):
                zbuf[r, pl.ds(j * L, L)] = zeros
        pltpu.sync_copy(zbuf, acc_sh.at[pl.ds(sid * ACC_ROWS, ACC_ROWS)])

    for lc in lab_copies:
        lc.wait()

    off = (sid % 2) * ACC_ROWS + jnp.zeros((L,), jnp.int32)
    for c in range(NCH):
        for k in range(CHUNK // L):
            lab_v[c, pl.ds(k * L, L)] += off

    plsc.subcore_barrier()

    adds = []
    for c in range(NCH):
        copies[c].wait()
        adds.append(pltpu.async_copy(bufs[c], acc_sh.at[lab_v.at[c]],
                                     a_sems[c], add=True))
    for a in adds:
        a.wait()

    plsc.subcore_barrier()

    @pl.when(sid == 0)
    def _():
        pltpu.sync_copy(acc_sh,
                        out_hbm.at[pl.ds(cid * 2 * ACC_ROWS, 2 * ACC_ROWS)])


_seg_sum = pl.kernel(
    _seg_body,
    out_type=jax.ShapeDtypeStruct((NC * 2 * ACC_ROWS, FEATURE_DIM),
                                  jnp.float32),
    mesh=plsc.VectorSubcoreMesh(core_axis_name="c", subcore_axis_name="s",
                                num_cores=NC, num_subcores=NS),
    compiler_params=pltpu.CompilerParams(needs_layout_passes=False),
    scratch_types=(
        [pltpu.VMEM((CHUNK, FEATURE_DIM), jnp.float32) for _ in range(NCH)]
        + [pltpu.VMEM((NCH, CHUNK), jnp.int32),
           pltpu.VMEM((ACC_ROWS, FEATURE_DIM), jnp.float32),
           pltpu.VMEM_SHARED((2 * ACC_ROWS, FEATURE_DIM), jnp.float32)]
        + [pltpu.SemaphoreType.DMA for _ in range(2 * NCH)]
    ),
)


def _fin_body(part_ref, cen_ref, rule_ref, out_ref):
    s_full = part_ref[0:ACC_ROWS, :]
    for w in range(1, 2 * NC):
        s_full = s_full + part_ref[w * ACC_ROWS:(w + 1) * ACC_ROWS, :]
    s = s_full[:NUM_CLASSES, :]

    cen = cen_ref[...]
    norms = jnp.sqrt(jnp.sum(cen * cen, axis=1, keepdims=True))
    nc = cen / jnp.maximum(norms, 1e-12)
    cos_sum = jnp.sum(s * nc)

    n = NUM_CLASSES
    r0 = jax.lax.broadcasted_iota(jnp.int32, (n, n), 0)
    r1 = jax.lax.broadcasted_iota(jnp.int32, (n, n), 1)
    sim_w = jnp.where(r0 == r1, 0.0, rule_ref[...])
    wsum = jnp.sum(sim_w, axis=1, keepdims=True) + 1e-8
    nw = sim_w / wsum
    expected = jax.lax.dot_general(nw, nc, (((1,), (0,)), ((), ())),
                                   preferred_element_type=jnp.float32)
    loss_reg = 1.0 - jnp.sum(nc * expected) / n
    loss_center = 1.0 - cos_sum / BATCH
    out_ref[...] = jnp.reshape(loss_center + 0.5 * loss_reg, (1, 1))


def kernel(features, labels, centers, rule_matrix):
    partials = _seg_sum(features, labels.astype(jnp.int32))
    out = pl.pallas_call(
        _fin_body,
        out_shape=jax.ShapeDtypeStruct((1, 1), jnp.float32),
    )(partials, centers, rule_matrix)
    return out[0, 0]

# --- scband reference (transcript-rebuilt; emitter-appended) ---
"""Pipeline reference for scband-center-regularization-loss-17128329577058 (READ-ONLY COPY).

The authoritative reference and input builder live on the scoring server;
editing this copy changes nothing except your own understanding.
"""

import jax, jax.numpy as jnp
import numpy as np

NUM_CLASSES = 26
FEATURE_DIM = 128
BATCH = 16384

def setup_inputs(seed: int = 0) -> dict:
    key = jax.random.key(seed)
    k1, k2, k3 = jax.random.split(key, 3)
    features = jax.random.normal(k1, (BATCH, FEATURE_DIM), dtype=jnp.float32)
    labels = jax.random.randint(k2, (BATCH,), 0, NUM_CLASSES)
    centers = jax.random.normal(k3, (NUM_CLASSES, FEATURE_DIM), dtype=jnp.float32) * 0.1
    rule_matrix = jnp.ones((NUM_CLASSES, NUM_CLASSES), dtype=jnp.float32)
    return {"features": features, "labels": labels, "centers": centers, "rule_matrix": rule_matrix}

def reference(features, labels, centers, rule_matrix):
    # F.normalize(self.centers, dim=1) with eps=1e-12
    norms = jnp.maximum(jnp.linalg.norm(centers, axis=1, keepdims=True), 1e-12)
    normalized_centers = centers / norms
    # batch_centers = normalized_centers[labels] (gather)
    batch_centers = jnp.take(normalized_centers, labels, axis=0)
    cosine_sim = (features * batch_centers).sum(axis=1)
    loss_center = (1.0 - cosine_sim).mean()
    # sim_weights = rule_matrix.clone(); fill_diagonal_(0)
    n = rule_matrix.shape[0]
    sim_weights = rule_matrix * (1.0 - jnp.eye(n, dtype=rule_matrix.dtype))
    weight_sum = sim_weights.sum(axis=1, keepdims=True) + 1e-08
    norm_weights = sim_weights / weight_sum
    expected_centers = jnp.matmul(norm_weights, normalized_centers)
    cosine_sim_reg = (normalized_centers * jax.lax.stop_gradient(expected_centers)).sum(axis=1)
    loss_reg = (1.0 - cosine_sim_reg).mean()
    return loss_center + 0.5 * loss_reg

if __name__ == "__main__":
    import jax
    _d = setup_inputs()
    print(jax.jit(kernel)(*tuple(_d.values())))

</pallas_src>

<mosaic_0001>
#map = affine_map<(d0, d1) -> (0, 0)>
#map1 = affine_map<(d0, d1) -> (0)>
module attributes {stable_mosaic.version = 14 : i64} {
  func.func @_seg_body(%arg0: i32, %arg1: i32, %arg2: memref<16384x128xf32, #tpu.memory_space<hbm>>, %arg3: memref<16384xi32, #tpu.memory_space<hbm>>, %arg4: memref<128x128xf32, #tpu.memory_space<hbm>>, %arg5: memref<128x128xf32, #tpu.memory_space<vmem>>, %arg6: memref<128x128xf32, #tpu.memory_space<vmem>>, %arg7: memref<128x128xf32, #tpu.memory_space<vmem>>, %arg8: memref<128x128xf32, #tpu.memory_space<vmem>>, %arg9: memref<4x128xi32, #tpu.memory_space<vmem>>, %arg10: memref<32x128xf32, #tpu.memory_space<vmem>>, %arg11: memref<64x128xf32, #tpu.memory_space<vmem_shared>>, %arg12: memref<!tpu.dma_semaphore, #tpu.memory_space<semaphore_mem>>, %arg13: memref<!tpu.dma_semaphore, #tpu.memory_space<semaphore_mem>>, %arg14: memref<!tpu.dma_semaphore, #tpu.memory_space<semaphore_mem>>, %arg15: memref<!tpu.dma_semaphore, #tpu.memory_space<semaphore_mem>>, %arg16: memref<!tpu.dma_semaphore, #tpu.memory_space<semaphore_mem>>, %arg17: memref<!tpu.dma_semaphore, #tpu.memory_space<semaphore_mem>>, %arg18: memref<!tpu.dma_semaphore, #tpu.memory_space<semaphore_mem>>, %arg19: memref<!tpu.dma_semaphore, #tpu.memory_space<semaphore_mem>>) attributes {dimension_semantics = [#tpu.dimension_semantics<core_parallel>, #tpu.dimension_semantics<subcore_parallel>], iteration_bounds = array<i64: 2, 16>, scalar_prefetch = 0 : i64, scratch_operands = 15 : i64, tpu.core_type = #tpu.core_type<sc_vector_subcore>, window_params = [{transform_indices = #map}, {transform_indices = #map1}, {transform_indices = #map}]} {
    %mul3A = arith.constant 2 : i32
    %mul3A_0 = arith.muli %arg1, %mul3A : i32
    %add3A = arith.addi %mul3A_0, %arg0 : i32
    %mul3A_1 = arith.constant 512 : i32
    %mul3A_2 = arith.muli %add3A, %mul3A_1 : i32
    %add3A_3 = arith.constant 0 : i32
    %add3A_4 = arith.addi %mul3A_2, %add3A_3 : i32
    %dma_start3A = arith.constant 0 : i32
    %dma_start3A_5 = tpu.memref_slice %arg2[%add3A_4, %dma_start3A] : memref<16384x128xf32, #tpu.memory_space<hbm>> -> memref<128x128xf32, #tpu.memory_space<hbm>>
    %dma_start3A_6 = arith.constant 0 : i32
    %dma_start3A_7 = tpu.memref_slice %arg2[%add3A_4, %dma_start3A_6] : memref<16384x128xf32, #tpu.memory_space<hbm>> -> memref<128x128xf32, #tpu.memory_space<hbm>>
    tpu.enqueue_dma source(%dma_start3A_7 : memref<128x128xf32, #tpu.memory_space<hbm>>) target(%arg5 : memref<128x128xf32, #tpu.memory_space<vmem>>) target_semaphore(%arg12 : memref<!tpu.dma_semaphore, #tpu.memory_space<semaphore_mem>>)
    %add3A_8 = arith.constant 128 : i32
    %add3A_9 = arith.addi %mul3A_2, %add3A_8 : i32
    %dma_start3A_10 = arith.constant 0 : i32
    %dma_start3A_11 = tpu.memref_slice %arg2[%add3A_9, %dma_start3A_10] : memref<16384x128xf32, #tpu.memory_space<hbm>> -> memref<128x128xf32, #tpu.memory_space<hbm>>
    %dma_start3A_12 = arith.constant 0 : i32
    %dma_start3A_13 = tpu.memref_slice %arg2[%add3A_9, %dma_start3A_12] : memref<16384x128xf32, #tpu.memory_space<hbm>> -> memref<128x128xf32, #tpu.memory_space<hbm>>
    tpu.enqueue_dma source(%dma_start3A_13 : memref<128x128xf32, #tpu.memory_space<hbm>>) target(%arg6 : memref<128x128xf32, #tpu.memory_space<vmem>>) target_semaphore(%arg13 : memref<!tpu.dma_semaphore, #tpu.memory_space<semaphore_mem>>)
    %add3A_14 = arith.constant 256 : i32
    %add3A_15 = arith.addi %mul3A_2, %add3A_14 : i32
    %dma_start3A_16 = arith.constant 0 : i32
    %dma_start3A_17 = tpu.memref_slice %arg2[%add3A_15, %dma_start3A_16] : memref<16384x128xf32, #tpu.memory_space<hbm>> -> memref<128x128xf32, #tpu.memory_space<hbm>>
    %dma_start3A_18 = arith.constant 0 : i32
    %dma_start3A_19 = tpu.memref_slice %arg2[%add3A_15, %dma_start3A_18] : memref<16384x128xf32, #tpu.memory_space<hbm>> -> memref<128x128xf32, #tpu.memory_space<hbm>>
    tpu.enqueue_dma source(%dma_start3A_19 : memref<128x128xf32, #tpu.memory_space<hbm>>) target(%arg7 : memref<128x128xf32, #tpu.memory_space<vmem>>) target_semaphore(%arg14 : memref<!tpu.dma_semaphore, #tpu.memory_space<semaphore_mem>>)
    %add3A_20 = arith.constant 384 : i32
    %add3A_21 = arith.addi %mul3A_2, %add3A_20 : i32
    %dma_start3A_22 = arith.constant 0 : i32
    %dma_start3A_23 = tpu.memref_slice %arg2[%add3A_21, %dma_start3A_22] : memref<16384x128xf32, #tpu.memory_space<hbm>> -> memref<128x128xf32, #tpu.memory_space<hbm>>
    %dma_start3A_24 = arith.constant 0 : i32
    %dma_start3A_25 = tpu.memref_slice %arg2[%add3A_21, %dma_start3A_24] : memref<16384x128xf32, #tpu.memory_space<hbm>> -> memref<128x128xf32, #tpu.memory_space<hbm>>
    tpu.enqueue_dma source(%dma_start3A_25 : memref<128x128xf32, #tpu.memory_space<hbm>>) target(%arg8 : memref<128x128xf32, #tpu.memory_space<vmem>>) target_semaphore(%arg15 : memref<!tpu.dma_semaphore, #tpu.memory_space<semaphore_mem>>)
    %add3A_26 = arith.constant 0 : i32
    %add3A_27 = arith.addi %mul3A_2, %add3A_26 : i32
    %dma_start3A_28 = arith.constant 0 : i32
    %dma_start3A_29 = arith.constant 0 : i32
    %dma_start3A_30 = tpu.memref_slice %arg9[%dma_start3A_28, %dma_start3A_29] : memref<4x128xi32, #tpu.memory_space<vmem>> -> memref<1x128xi32, #tpu.memory_space<vmem>>
    %dma_start3A_31 = tpu.memref_squeeze %dma_start3A_30 : memref<1x128xi32, #tpu.memory_space<vmem>> -> memref<128xi32, #tpu.memory_space<vmem>>
    %dma_start3A_32 = tpu.memref_slice %arg3[%add3A_27] : memref<16384xi32, #tpu.memory_space<hbm>> -> memref<128xi32, #tpu.memory_space<hbm>>
    %dma_start3A_33 = arith.constant 0 : i32
    %dma_start3A_34 = tpu.memref_slice %arg9[%dma_start3A_28, %dma_start3A_33] : memref<4x128xi32, #tpu.memory_space<vmem>> -> memref<1x128xi32, #tpu.memory_space<vmem>>
    %dma_start3A_35 = tpu.memref_squeeze %dma_start3A_34 : memref<1x128xi32, #tpu.memory_space<vmem>> -> memref<128xi32, #tpu.memory_space<vmem>>
    %dma_start3A_36 = tpu.memref_slice %arg3[%add3A_27] : memref<16384xi32, #tpu.memory_space<hbm>> -> memref<128xi32, #tpu.memory_space<hbm>>
    tpu.enqueue_dma source(%dma_start3A_36 : memref<128xi32, #tpu.memory_space<hbm>>) target(%dma_start3A_35 : memref<128xi32, #tpu.memory_space<vmem>>) target_semaphore(%arg16 : memref<!tpu.dma_semaphore, #tpu.memory_space<semaphore_mem>>)
    %add3A_37 = arith.constant 128 : i32
    %add3A_38 = arith.addi %mul3A_2, %add3A_37 : i32
    %dma_start3A_39 = arith.constant 1 : i32
    %dma_start3A_40 = arith.constant 0 : i32
    %dma_start3A_41 = tpu.memref_slice %arg9[%dma_start3A_39, %dma_start3A_40] : memref<4x128xi32, #tpu.memory_space<vmem>> -> memref<1x128xi32, #tpu.memory_space<vmem>>
    %dma_start3A_42 = tpu.memref_squeeze %dma_start3A_41 : memref<1x128xi32, #tpu.memory_space<vmem>> -> memref<128xi32, #tpu.memory_space<vmem>>
    %dma_start3A_43 = tpu.memref_slice %arg3[%add3A_38] : memref<16384xi32, #tpu.memory_space<hbm>> -> memref<128xi32, #tpu.memory_space<hbm>>
    %dma_start3A_44 = arith.constant 0 : i32
    %dma_start3A_45 = tpu.memref_slice %arg9[%dma_start3A_39, %dma_start3A_44] : memref<4x128xi32, #tpu.memory_space<vmem>> -> memref<1x128xi32, #tpu.memory_space<vmem>>
    %dma_start3A_46 = tpu.memref_squeeze %dma_start3A_45 : memref<1x128xi32, #tpu.memory_space<vmem>> -> memref<128xi32, #tpu.memory_space<vmem>>
    %dma_start3A_47 = tpu.memref_slice %arg3[%add3A_38] : memref<16384xi32, #tpu.memory_space<hbm>> -> memref<128xi32, #tpu.memory_space<hbm>>
    tpu.enqueue_dma source(%dma_start3A_47 : memref<128xi32, #tpu.memory_space<hbm>>) target(%dma_start3A_46 : memref<128xi32, #tpu.memory_space<vmem>>) target_semaphore(%arg17 : memref<!tpu.dma_semaphore, #tpu.memory_space<semaphore_mem>>)
    %add3A_48 = arith.constant 256 : i32
    %add3A_49 = arith.addi %mul3A_2, %add3A_48 : i32
    %dma_start3A_50 = arith.constant 2 : i32
    %dma_start3A_51 = arith.constant 0 : i32
    %dma_start3A_52 = tpu.memref_slice %arg9[%dma_start3A_50, %dma_start3A_51] : memref<4x128xi32, #tpu.memory_space<vmem>> -> memref<1x128xi32, #tpu.memory_space<vmem>>
    %dma_start3A_53 = tpu.memref_squeeze %dma_start3A_52 : memref<1x128xi32, #tpu.memory_space<vmem>> -> memref<128xi32, #tpu.memory_space<vmem>>
    %dma_start3A_54 = tpu.memref_slice %arg3[%add3A_49] : memref<16384xi32, #tpu.memory_space<hbm>> -> memref<128xi32, #tpu.memory_space<hbm>>
    %dma_start3A_55 = arith.constant 0 : i32
    %dma_start3A_56 = tpu.memref_slice %arg9[%dma_start3A_50, %dma_start3A_55] : memref<4x128xi32, #tpu.memory_space<vmem>> -> memref<1x128xi32, #tpu.memory_space<vmem>>
    %dma_start3A_57 = tpu.memref_squeeze %dma_start3A_56 : memref<1x128xi32, #tpu.memory_space<vmem>> -> memref<128xi32, #tpu.memory_space<vmem>>
    %dma_start3A_58 = tpu.memref_slice %arg3[%add3A_49] : memref<16384xi32, #tpu.memory_space<hbm>> -> memref<128xi32, #tpu.memory_space<hbm>>
    tpu.enqueue_dma source(%dma_start3A_58 : memref<128xi32, #tpu.memory_space<hbm>>) target(%dma_start3A_57 : memref<128xi32, #tpu.memory_space<vmem>>) target_semaphore(%arg18 : memref<!tpu.dma_semaphore, #tpu.memory_space<semaphore_mem>>)
    %add3A_59 = arith.constant 384 : i32
    %add3A_60 = arith.addi %mul3A_2, %add3A_59 : i32
    %dma_start3A_61 = arith.constant 3 : i32
    %dma_start3A_62 = arith.constant 0 : i32
    %dma_start3A_63 = tpu.memref_slice %arg9[%dma_start3A_61, %dma_start3A_62] : memref<4x128xi32, #tpu.memory_space<vmem>> -> memref<1x128xi32, #tpu.memory_space<vmem>>
    %dma_start3A_64 = tpu.memref_squeeze %dma_start3A_63 : memref<1x128xi32, #tpu.memory_space<vmem>> -> memref<128xi32, #tpu.memory_space<vmem>>
    %dma_start3A_65 = tpu.memref_slice %arg3[%add3A_60] : memref<16384xi32, #tpu.memory_space<hbm>> -> memref<128xi32, #tpu.memory_space<hbm>>
    %dma_start3A_66 = arith.constant 0 : i32
    %dma_start3A_67 = tpu.memref_slice %arg9[%dma_start3A_61, %dma_start3A_66] : memref<4x128xi32, #tpu.memory_space<vmem>> -> memref<1x128xi32, #tpu.memory_space<vmem>>
    %dma_start3A_68 = tpu.memref_squeeze %dma_start3A_67 : memref<1x128xi32, #tpu.memory_space<vmem>> -> memref<128xi32, #tpu.memory_space<vmem>>
    %dma_start3A_69 = tpu.memref_slice %arg3[%add3A_60] : memref<16384xi32, #tpu.memory_space<hbm>> -> memref<128xi32, #tpu.memory_space<hbm>>
    tpu.enqueue_dma source(%dma_start3A_69 : memref<128xi32, #tpu.memory_space<hbm>>) target(%dma_start3A_68 : memref<128xi32, #tpu.memory_space<vmem>>) target_semaphore(%arg19 : memref<!tpu.dma_semaphore, #tpu.memory_space<semaphore_mem>>)
    %broadcast_in_dim3A = arith.constant 0.000000e+00 : f32
    %broadcast_in_dim3A_70 = vector.broadcast %broadcast_in_dim3A : f32 to vector<16xf32>
    %lt3A = arith.constant 2 : i32
    %lt3A_71 = arith.cmpi slt, %arg1, %lt3A : i32
    %convert_element_type3A = arith.extui %lt3A_71 : i1 to i32
    %cond3A = arith.constant 0 : i32
    %cond3A_72 = arith.cmpi ne, %convert_element_type3A, %cond3A : i32
    scf.if %cond3A_72 {
      %parallel_loop3A = arith.constant 0 : i32
      %parallel_loop3A_488 = arith.constant 32 : i32
      %parallel_loop3A_489 = arith.constant 1 : i32
      scf.for %parallel_loop3A_492 = %parallel_loop3A to %parallel_loop3A_488 step %parallel_loop3A_489  : i32 {
        %parallel_loop3A_493 = arith.index_cast %parallel_loop3A_492 : i32 to index
        %parallel_loop3A_494 = arith.constant 0 : index
        %parallel_loop3A_495 = tpu.vector_load %arg10[%parallel_loop3A_493, %parallel_loop3A_494] {strides = array<i32>} : memref<32x128xf32, #tpu.memory_space<vmem>>, vector<16xf32>,
        tpu.vector_store %arg10[%parallel_loop3A_493, %parallel_loop3A_494], %broadcast_in_dim3A_70 {strides = array<i32>} : memref<32x128xf32, #tpu.memory_space<vmem>>, vector<16xf32>,
        %parallel_loop3A_496 = arith.index_cast %parallel_loop3A_492 : i32 to index
        %parallel_loop3A_497 = arith.constant 16 : index
        %parallel_loop3A_498 = tpu.vector_load %arg10[%parallel_loop3A_496, %parallel_loop3A_497] {strides = array<i32>} : memref<32x128xf32, #tpu.memory_space<vmem>>, vector<16xf32>,
        tpu.vector_store %arg10[%parallel_loop3A_496, %parallel_loop3A_497], %broadcast_in_dim3A_70 {strides = array<i32>} : memref<32x128xf32, #tpu.memory_space<vmem>>, vector<16xf32>,
        %parallel_loop3A_499 = arith.index_cast %parallel_loop3A_492 : i32 to index
        %parallel_loop3A_500 = arith.constant 32 : index
        %parallel_loop3A_501 = tpu.vector_load %arg10[%parallel_loop3A_499, %parallel_loop3A_500] {strides = array<i32>} : memref<32x128xf32, #tpu.memory_space<vmem>>, vector<16xf32>,
        tpu.vector_store %arg10[%parallel_loop3A_499, %parallel_loop3A_500], %broadcast_in_dim3A_70 {strides = array<i32>} : memref<32x128xf32, #tpu.memory_space<vmem>>, vector<16xf32>,
        %parallel_loop3A_502 = arith.index_cast %parallel_loop3A_492 : i32 to index
        %parallel_loop3A_503 = arith.constant 48 : index
        %parallel_loop3A_504 = tpu.vector_load %arg10[%parallel_loop3A_502, %parallel_loop3A_503] {strides = array<i32>} : memref<32x128xf32, #tpu.memory_space<vmem>>, vector<16xf32>,
        tpu.vector_store %arg10[%parallel_loop3A_502, %parallel_loop3A_503], %broadcast_in_dim3A_70 {strides = array<i32>} : memref<32x128xf32, #tpu.memory_space<vmem>>, vector<16xf32>,
        %parallel_loop3A_505 = arith.index_cast %parallel_loop3A_492 : i32 to index
        %parallel_loop3A_506 = arith.constant 64 : index
        %parallel_loop3A_507 = tpu.vector_load %arg10[%parallel_loop3A_505, %parallel_loop3A_506] {strides = array<i32>} : memref<32x128xf32, #tpu.memory_space<vmem>>, vector<16xf32>,
        tpu.vector_store %arg10[%parallel_loop3A_505, %parallel_loop3A_506], %broadcast_in_dim3A_70 {strides = array<i32>} : memref<32x128xf32, #tpu.memory_space<vmem>>, vector<16xf32>,
        %parallel_loop3A_508 = arith.index_cast %parallel_loop3A_492 : i32 to index
        %parallel_loop3A_509 = arith.constant 80 : index
        %parallel_loop3A_510 = tpu.vector_load %arg10[%parallel_loop3A_508, %parallel_loop3A_509] {strides = array<i32>} : memref<32x128xf32, #tpu.memory_space<vmem>>, vector<16xf32>,
        tpu.vector_store %arg10[%parallel_loop3A_508, %parallel_loop3A_509], %broadcast_in_dim3A_70 {strides = array<i32>} : memref<32x128xf32, #tpu.memory_space<vmem>>, vector<16xf32>,
        %parallel_loop3A_511 = arith.index_cast %parallel_loop3A_492 : i32 to index
        %parallel_loop3A_512 = arith.constant 96 : index
        %parallel_loop3A_513 = tpu.vector_load %arg10[%parallel_loop3A_511, %parallel_loop3A_512] {strides = array<i32>} : memref<32x128xf32, #tpu.memory_space<vmem>>, vector<16xf32>,
        tpu.vector_store %arg10[%parallel_loop3A_511, %parallel_loop3A_512], %broadcast_in_dim3A_70 {strides = array<i32>} : memref<32x128xf32, #tpu.memory_space<vmem>>, vector<16xf32>,
        %parallel_loop3A_514 = arith.index_cast %parallel_loop3A_492 : i32 to index
        %parallel_loop3A_515 = arith.constant 112 : index
        %parallel_loop3A_516 = tpu.vector_load %arg10[%parallel_loop3A_514, %parallel_loop3A_515] {strides = array<i32>} : memref<32x128xf32, #tpu.memory_space<vmem>>, vector<16xf32>,
        tpu.vector_store %arg10[%parallel_loop3A_514, %parallel_loop3A_515], %broadcast_in_dim3A_70 {strides = array<i32>} : memref<32x128xf32, #tpu.memory_space<vmem>>, vector<16xf32>,
      } {sc.loop_unroll_factor = 1 : i64, sc.parallel_access}
      %mul3A_490 = arith.constant 32 : i32
      %mul3A_491 = arith.muli %arg1, %mul3A_490 : i32
      "tpu.region"() ({
        %run_scoped3A = tpu.sem_alloc : memref<!tpu.dma_semaphore, #tpu.memory_space<semaphore_mem>>
        %dma_start3A_492 = arith.constant 0 : i32
        %dma_start3A_493 = tpu.memref_slice %arg11[%mul3A_491, %dma_start3A_492] : memref<64x128xf32, #tpu.memory_space<vmem_shared>> -> memref<32x128xf32, #tpu.memory_space<vmem_shared>>
        %dma_start3A_494 = arith.constant 0 : i32
        %dma_start3A_495 = tpu.memref_slice %arg11[%mul3A_491, %dma_start3A_494] : memref<64x128xf32, #tpu.memory_space<vmem_shared>> -> memref<32x128xf32, #tpu.memory_space<vmem_shared>>
        tpu.enqueue_dma source(%arg10 : memref<32x128xf32, #tpu.memory_space<vmem>>) target(%dma_start3A_495 : memref<32x128xf32, #tpu.memory_space<vmem_shared>>) target_semaphore(%run_scoped3A : memref<!tpu.dma_semaphore, #tpu.memory_space<semaphore_mem>>)
        %dma_wait3A_496 = arith.constant 0 : i32
        %dma_wait3A_497 = tpu.memref_slice %arg11[%mul3A_491, %dma_wait3A_496] : memref<64x128xf32, #tpu.memory_space<vmem_shared>> -> memref<32x128xf32, #tpu.memory_space<vmem_shared>>
        %dma_wait3A_498 = arith.constant 0 : i32
        %dma_wait3A_499 = tpu.memref_slice %arg11[%mul3A_491, %dma_wait3A_498] : memref<64x128xf32, #tpu.memory_space<vmem_shared>> -> memref<32x128xf32, #tpu.memory_space<vmem_shared>>
        tpu.wait_dma2 semaphore(%run_scoped3A : memref<!tpu.dma_semaphore, #tpu.memory_space<semaphore_mem>>) src(%arg10 : memref<32x128xf32, #tpu.memory_space<vmem>>) dst(%dma_wait3A_499 : memref<32x128xf32, #tpu.memory_space<vmem_shared>>)
        tpu.yield
      }) : () -> ()
    } else {
    }
    %dma_wait3A = arith.constant 0 : i32
    %dma_wait3A_73 = arith.constant 0 : i32
    %dma_wait3A_74 = tpu.memref_slice %arg9[%dma_wait3A, %dma_wait3A_73] : memref<4x128xi32, #tpu.memory_space<vmem>> -> memref<1x128xi32, #tpu.memory_space<vmem>>
    %dma_wait3A_75 = tpu.memref_squeeze %dma_wait3A_74 : memref<1x128xi32, #tpu.memory_space<vmem>> -> memref<128xi32, #tpu.memory_space<vmem>>
    %dma_wait3A_76 = tpu.memref_slice %arg3[%add3A_27] : memref<16384xi32, #tpu.memory_space<hbm>> -> memref<128xi32, #tpu.memory_space<hbm>>
    %dma_wait3A_77 = arith.constant 0 : i32
    %dma_wait3A_78 = tpu.memref_slice %arg9[%dma_wait3A, %dma_wait3A_77] : memref<4x128xi32, #tpu.memory_space<vmem>> -> memref<1x128xi32, #tpu.memory_space<vmem>>
    %dma_wait3A_79 = tpu.memref_squeeze %dma_wait3A_78 : memref<1x128xi32, #tpu.memory_space<vmem>> -> memref<128xi32, #tpu.memory_space<vmem>>
    %dma_wait3A_80 = tpu.memref_slice %arg3[%add3A_27] : memref<16384xi32, #tpu.memory_space<hbm>> -> memref<128xi32, #tpu.memory_space<hbm>>
    tpu.wait_dma2 semaphore(%arg16 : memref<!tpu.dma_semaphore, #tpu.memory_space<semaphore_mem>>) src(%dma_wait3A_80 : memref<128xi32, #tpu.memory_space<hbm>>) dst(%dma_wait3A_79 : memref<128xi32, #tpu.memory_space<vmem>>)
    %dma_wait3A_81 = arith.constant 1 : i32
    %dma_wait3A_82 = arith.constant 0 : i32
    %dma_wait3A_83 = tpu.memref_slice %arg9[%dma_wait3A_81, %dma_wait3A_82] : memref<4x128xi32, #tpu.memory_space<vmem>> -> memref<1x128xi32, #tpu.memory_space<vmem>>
    %dma_wait3A_84 = tpu.memref_squeeze %dma_wait3A_83 : memref<1x128xi32, #tpu.memory_space<vmem>> -> memref<128xi32, #tpu.memory_space<vmem>>
    %dma_wait3A_85 = tpu.memref_slice %arg3[%add3A_38] : memref<16384xi32, #tpu.memory_space<hbm>> -> memref<128xi32, #tpu.memory_space<hbm>>
    %dma_wait3A_86 = arith.constant 0 : i32
    %dma_wait3A_87 = tpu.memref_slice %arg9[%dma_wait3A_81, %dma_wait3A_86] : memref<4x128xi32, #tpu.memory_space<vmem>> -> memref<1x128xi32, #tpu.memory_space<vmem>>
    %dma_wait3A_88 = tpu.memref_squeeze %dma_wait3A_87 : memref<1x128xi32, #tpu.memory_space<vmem>> -> memref<128xi32, #tpu.memory_space<vmem>>
    %dma_wait3A_89 = tpu.memref_slice %arg3[%add3A_38] : memref<16384xi32, #tpu.memory_space<hbm>> -> memref<128xi32, #tpu.memory_space<hbm>>
    tpu.wait_dma2 semaphore(%arg17 : memref<!tpu.dma_semaphore, #tpu.memory_space<semaphore_mem>>) src(%dma_wait3A_89 : memref<128xi32, #tpu.memory_space<hbm>>) dst(%dma_wait3A_88 : memref<128xi32, #tpu.memory_space<vmem>>)
    %dma_wait3A_90 = arith.constant 2 : i32
    %dma_wait3A_91 = arith.constant 0 : i32
    %dma_wait3A_92 = tpu.memref_slice %arg9[%dma_wait3A_90, %dma_wait3A_91] : memref<4x128xi32, #tpu.memory_space<vmem>> -> memref<1x128xi32, #tpu.memory_space<vmem>>
    %dma_wait3A_93 = tpu.memref_squeeze %dma_wait3A_92 : memref<1x128xi32, #tpu.memory_space<vmem>> -> memref<128xi32, #tpu.memory_space<vmem>>
    %dma_wait3A_94 = tpu.memref_slice %arg3[%add3A_49] : memref<16384xi32, #tpu.memory_space<hbm>> -> memref<128xi32, #tpu.memory_space<hbm>>
    %dma_wait3A_95 = arith.constant 0 : i32
    %dma_wait3A_96 = tpu.memref_slice %arg9[%dma_wait3A_90, %dma_wait3A_95] : memref<4x128xi32, #tpu.memory_space<vmem>> -> memref<1x128xi32, #tpu.memory_space<vmem>>
    %dma_wait3A_97 = tpu.memref_squeeze %dma_wait3A_96 : memref<1x128xi32, #tpu.memory_space<vmem>> -> memref<128xi32, #tpu.memory_space<vmem>>
    %dma_wait3A_98 = tpu.memref_slice %arg3[%add3A_49] : memref<16384xi32, #tpu.memory_space<hbm>> -> memref<128xi32, #tpu.memory_space<hbm>>
    tpu.wait_dma2 semaphore(%arg18 : memref<!tpu.dma_semaphore, #tpu.memory_space<semaphore_mem>>) src(%dma_wait3A_98 : memref<128xi32, #tpu.memory_space<hbm>>) dst(%dma_wait3A_97 : memref<128xi32, #tpu.memory_space<vmem>>)
    %dma_wait3A_99 = arith.constant 3 : i32
    %dma_wait3A_100 = arith.constant 0 : i32
    %dma_wait3A_101 = tpu.memref_slice %arg9[%dma_wait3A_99, %dma_wait3A_100] : memref<4x128xi32, #tpu.memory_space<vmem>> -> memref<1x128xi32, #tpu.memory_space<vmem>>
    %dma_wait3A_102 = tpu.memref_squeeze %dma_wait3A_101 : memref<1x128xi32, #tpu.memory_space<vmem>> -> memref<128xi32, #tpu.memory_space<vmem>>
    %dma_wait3A_103 = tpu.memref_slice %arg3[%add3A_60] : memref<16384xi32, #tpu.memory_space<hbm>> -> memref<128xi32, #tpu.memory_space<hbm>>
    %dma_wait3A_104 = arith.constant 0 : i32
    %dma_wait3A_105 = tpu.memref_slice %arg9[%dma_wait3A_99, %dma_wait3A_104] : memref<4x128xi32, #tpu.memory_space<vmem>> -> memref<1x128xi32, #tpu.memory_space<vmem>>
    %dma_wait3A_106 = tpu.memref_squeeze %dma_wait3A_105 : memref<1x128xi32, #tpu.memory_space<vmem>> -> memref<128xi32, #tpu.memory_space<vmem>>
    %dma_wait3A_107 = tpu.memref_slice %arg3[%add3A_60] : memref<16384xi32, #tpu.memory_space<hbm>> -> memref<128xi32, #tpu.memory_space<hbm>>
    tpu.wait_dma2 semaphore(%arg19 : memref<!tpu.dma_semaphore, #tpu.memory_space<semaphore_mem>>) src(%dma_wait3A_107 : memref<128xi32, #tpu.memory_space<hbm>>) dst(%dma_wait3A_106 : memref<128xi32, #tpu.memory_space<vmem>>)
    %jit3A = arith.constant 2 : i32
    %eq3A = arith.constant 0 : i32
    %eq3A_108 = arith.cmpi eq, %jit3A, %eq3A : i32
    %jit3A_109 = arith.constant 1 : i32
    %select_n3A = arith.select %eq3A_108, %jit3A_109, %jit3A : i32
    %rem3A = arith.remsi %arg1, %select_n3A : i32
    %ne3A = arith.constant 0 : i32
    %ne3A_110 = arith.cmpi ne, %rem3A, %ne3A : i32
    %lt3A_111 = arith.constant 0 : i32
    %lt3A_112 = arith.cmpi slt, %rem3A, %lt3A_111 : i32
    %lt3A_113 = arith.constant 0 : i32
    %lt3A_114 = arith.cmpi slt, %select_n3A, %lt3A_113 : i32
    %ne3A_115 = arith.xori %lt3A_112, %lt3A_114 : i1
    %and3A = arith.andi %ne3A_115, %ne3A_110 : i1
    %add3A_116 = arith.addi %rem3A, %select_n3A : i32
    %select_n3A_117 = arith.select %and3A, %add3A_116, %rem3A : i32
    %mul3A_118 = arith.constant 32 : i32
    %mul3A_119 = arith.muli %select_n3A_117, %mul3A_118 : i32
    %broadcast_in_dim3A_120 = arith.constant 0 : i32
    %broadcast_in_dim3A_121 = vector.broadcast %broadcast_in_dim3A_120 : i32 to vector<16xi32>
    %add3A_122 = vector.broadcast %mul3A_119 : i32 to vector<16xi32>
    %add3A_123 = arith.addi %add3A_122, %broadcast_in_dim3A_121 : vector<16xi32>
    %get3A = arith.constant 0 : i32
    %get3A_124 = arith.index_cast %get3A : i32 to index
    %get3A_125 = arith.constant 0 : index
    %get3A_126 = tpu.vector_load %arg9[%get3A_124, %get3A_125] {strides = array<i32>} : memref<4x128xi32, #tpu.memory_space<vmem>>, vector<16xi32>,
    %add3A_127 = arith.addi %get3A_126, %add3A_123 : vector<16xi32>
    %swap3A = arith.constant 0 : i32
    %swap3A_128 = arith.index_cast %swap3A : i32 to index
    %swap3A_129 = arith.constant 0 : index
    %swap3A_130 = tpu.vector_load %arg9[%swap3A_128, %swap3A_129] {strides = array<i32>} : memref<4x128xi32, #tpu.memory_space<vmem>>, vector<16xi32>,
    tpu.vector_store %arg9[%swap3A_128, %swap3A_129], %add3A_127 {strides = array<i32>} : memref<4x128xi32, #tpu.memory_space<vmem>>, vector<16xi32>,
    %get3A_131 = arith.constant 0 : i32
    %get3A_132 = arith.index_cast %get3A_131 : i32 to index
    %get3A_133 = arith.constant 16 : index
    %get3A_134 = tpu.vector_load %arg9[%get3A_132, %get3A_133] {strides = array<i32>} : memref<4x128xi32, #tpu.memory_space<vmem>>, vector<16xi32>,
    %add3A_135 = arith.addi %get3A_134, %add3A_123 : vector<16xi32>
    %swap3A_136 = arith.constant 0 : i32
    %swap3A_137 = arith.index_cast %swap3A_136 : i32 to index
    %swap3A_138 = arith.constant 16 : index
    %swap3A_139 = tpu.vector_load %arg9[%swap3A_137, %swap3A_138] {strides = array<i32>} : memref<4x128xi32, #tpu.memory_space<vmem>>, vector<16xi32>,
    tpu.vector_store %arg9[%swap3A_137, %swap3A_138], %add3A_135 {strides = array<i32>} : memref<4x128xi32, #tpu.memory_space<vmem>>, vector<16xi32>,
    %get3A_140 = arith.constant 0 : i32
    %get3A_141 = arith.index_cast %get3A_140 : i32 to index
    %get3A_142 = arith.constant 32 : index
    %get3A_143 = tpu.vector_load %arg9[%get3A_141, %get3A_142] {strides = array<i32>} : memref<4x128xi32, #tpu.memory_space<vmem>>, vector<16xi32>,
    %add3A_144 = arith.addi %get3A_143, %add3A_123 : vector<16xi32>
    %swap3A_145 = arith.constant 0 : i32
    %swap3A_146 = arith.index_cast %swap3A_145 : i32 to index
    %swap3A_147 = arith.constant 32 : index
    %swap3A_148 = tpu.vector_load %arg9[%swap3A_146, %swap3A_147] {strides = array<i32>} : memref<4x128xi32, #tpu.memory_space<vmem>>, vector<16xi32>,
    tpu.vector_store %arg9[%swap3A_146, %swap3A_147], %add3A_144 {strides = array<i32>} : memref<4x128xi32, #tpu.memory_space<vmem>>, vector<16xi32>,
    %get3A_149 = arith.constant 0 : i32
    %get3A_150 = arith.index_cast %get3A_149 : i32 to index
    %get3A_151 = arith.constant 48 : index
    %get3A_152 = tpu.vector_load %arg9[%get3A_150, %get3A_151] {strides = array<i32>} : memref<4x128xi32, #tpu.memory_space<vmem>>, vector<16xi32>,
    %add3A_153 = arith.addi %get3A_152, %add3A_123 : vector<16xi32>
    %swap3A_154 = arith.constant 0 : i32
    %swap3A_155 = arith.index_cast %swap3A_154 : i32 to index
    %swap3A_156 = arith.constant 48 : index
    %swap3A_157 = tpu.vector_load %arg9[%swap3A_155, %swap3A_156] {strides = array<i32>} : memref<4x128xi32, #tpu.memory_space<vmem>>, vector<16xi32>,
    tpu.vector_store %arg9[%swap3A_155, %swap3A_156], %add3A_153 {strides = array<i32>} : memref<4x128xi32, #tpu.memory_space<vmem>>, vector<16xi32>,
    %get3A_158 = arith.constant 0 : i32
    %get3A_159 = arith.index_cast %get3A_158 : i32 to index
    %get3A_160 = arith.constant 64 : index
    %get3A_161 = tpu.vector_load %arg9[%get3A_159, %get3A_160] {strides = array<i32>} : memref<4x128xi32, #tpu.memory_space<vmem>>, vector<16xi32>,
    %add3A_162 = arith.addi %get3A_161, %add3A_123 : vector<16xi32>
    %swap3A_163 = arith.constant 0 : i32
    %swap3A_164 = arith.index_cast %swap3A_163 : i32 to index
    %swap3A_165 = arith.constant 64 : index
    %swap3A_166 = tpu.vector_load %arg9[%swap3A_164, %swap3A_165] {strides = array<i32>} : memref<4x128xi32, #tpu.memory_space<vmem>>, vector<16xi32>,
    tpu.vector_store %arg9[%swap3A_164, %swap3A_165], %add3A_162 {strides = array<i32>} : memref<4x128xi32, #tpu.memory_space<vmem>>, vector<16xi32>,
    %get3A_167 = arith.constant 0 : i32
    %get3A_168 = arith.index_cast %get3A_167 : i32 to index
    %get3A_169 = arith.constant 80 : index
    %get3A_170 = tpu.vector_load %arg9[%get3A_168, %get3A_169] {strides = array<i32>} : memref<4x128xi32, #tpu.memory_space<vmem>>, vector<16xi32>,
    %add3A_171 = arith.addi %get3A_170, %add3A_123 : vector<16xi32>
    %swap3A_172 = arith.constant 0 : i32
    %swap3A_173 = arith.index_cast %swap3A_172 : i32 to index
    %swap3A_174 = arith.constant 80 : index
    %swap3A_175 = tpu.vector_load %arg9[%swap3A_173, %swap3A_174] {strides = array<i32>} : memref<4x128xi32, #tpu.memory_space<vmem>>, vector<16xi32>,
    tpu.vector_store %arg9[%swap3A_173, %swap3A_174], %add3A_171 {strides = array<i32>} : memref<4x128xi32, #tpu.memory_space<vmem>>, vector<16xi32>,
    %get3A_176 = arith.constant 0 : i32
    %get3A_177 = arith.index_cast %get3A_176 : i32 to index
    %get3A_178 = arith.constant 96 : index
    %get3A_179 = tpu.vector_load %arg9[%get3A_177, %get3A_178] {strides = array<i32>} : memref<4x128xi32, #tpu.memory_space<vmem>>, vector<16xi32>,
    %add3A_180 = arith.addi %get3A_179, %add3A_123 : vector<16xi32>
    %swap3A_181 = arith.constant 0 : i32
    %swap3A_182 = arith.index_cast %swap3A_181 : i32 to index
    %swap3A_183 = arith.constant 96 : index
    %swap3A_184 = tpu.vector_load %arg9[%swap3A_182, %swap3A_183] {strides = array<i32>} : memref<4x128xi32, #tpu.memory_space<vmem>>, vector<16xi32>,
    tpu.vector_store %arg9[%swap3A_182, %swap3A_183], %add3A_180 {strides = array<i32>} : memref<4x128xi32, #tpu.memory_space<vmem>>, vector<16xi32>,
    %get3A_185 = arith.constant 0 : i32
    %get3A_186 = arith.index_cast %get3A_185 : i32 to index
    %get3A_187 = arith.constant 112 : index
    %get3A_188 = tpu.vector_load %arg9[%get3A_186, %get3A_187] {strides = array<i32>} : memref<4x128xi32, #tpu.memory_space<vmem>>, vector<16xi32>,
    %add3A_189 = arith.addi %get3A_188, %add3A_123 : vector<16xi32>
    %swap3A_190 = arith.constant 0 : i32
    %swap3A_191 = arith.index_cast %swap3A_190 : i32 to index
    %swap3A_192 = arith.constant 112 : index
    %swap3A_193 = tpu.vector_load %arg9[%swap3A_191, %swap3A_192] {strides = array<i32>} : memref<4x128xi32, #tpu.memory_space<vmem>>, vector<16xi32>,
    tpu.vector_store %arg9[%swap3A_191, %swap3A_192], %add3A_189 {strides = array<i32>} : memref<4x128xi32, #tpu.memory_space<vmem>>, vector<16xi32>,
    %get3A_194 = arith.constant 1 : i32
    %get3A_195 = arith.index_cast %get3A_194 : i32 to index
    %get3A_196 = arith.constant 0 : index
    %get3A_197 = tpu.vector_load %arg9[%get3A_195, %get3A_196] {strides = array<i32>} : memref<4x128xi32, #tpu.memory_space<vmem>>, vector<16xi32>,
    %add3A_198 = arith.addi %get3A_197, %add3A_123 : vector<16xi32>
    %swap3A_199 = arith.constant 1 : i32
    %swap3A_200 = arith.index_cast %swap3A_199 : i32 to index
    %swap3A_201 = arith.constant 0 : index
    %swap3A_202 = tpu.vector_load %arg9[%swap3A_200, %swap3A_201] {strides = array<i32>} : memref<4x128xi32, #tpu.memory_space<vmem>>, vector<16xi32>,
    tpu.vector_store %arg9[%swap3A_200, %swap3A_201], %add3A_198 {strides = array<i32>} : memref<4x128xi32, #tpu.memory_space<vmem>>, vector<16xi32>,
    %get3A_203 = arith.constant 1 : i32
    %get3A_204 = arith.index_cast %get3A_203 : i32 to index
    %get3A_205 = arith.constant 16 : index
    %get3A_206 = tpu.vector_load %arg9[%get3A_204, %get3A_205] {strides = array<i32>} : memref<4x128xi32, #tpu.memory_space<vmem>>, vector<16xi32>,
    %add3A_207 = arith.addi %get3A_206, %add3A_123 : vector<16xi32>
    %swap3A_208 = arith.constant 1 : i32
    %swap3A_209 = arith.index_cast %swap3A_208 : i32 to index
    %swap3A_210 = arith.constant 16 : index
    %swap3A_211 = tpu.vector_load %arg9[%swap3A_209, %swap3A_210] {strides = array<i32>} : memref<4x128xi32, #tpu.memory_space<vmem>>, vector<16xi32>,
    tpu.vector_store %arg9[%swap3A_209, %swap3A_210], %add3A_207 {strides = array<i32>} : memref<4x128xi32, #tpu.memory_space<vmem>>, vector<16xi32>,
    %get3A_212 = arith.constant 1 : i32
    %get3A_213 = arith.index_cast %get3A_212 : i32 to index
    %get3A_214 = arith.constant 32 : index
    %get3A_215 = tpu.vector_load %arg9[%get3A_213, %get3A_214] {strides = array<i32>} : memref<4x128xi32, #tpu.memory_space<vmem>>, vector<16xi32>,
    %add3A_216 = arith.addi %get3A_215, %add3A_123 : vector<16xi32>
    %swap3A_217 = arith.constant 1 : i32
    %swap3A_218 = arith.index_cast %swap3A_217 : i32 to index
    %swap3A_219 = arith.constant 32 : index
    %swap3A_220 = tpu.vector_load %arg9[%swap3A_218, %swap3A_219] {strides = array<i32>} : memref<4x128xi32, #tpu.memory_space<vmem>>, vector<16xi32>,
    tpu.vector_store %arg9[%swap3A_218, %swap3A_219], %add3A_216 {strides = array<i32>} : memref<4x128xi32, #tpu.memory_space<vmem>>, vector<16xi32>,
    %get3A_221 = arith.constant 1 : i32
    %get3A_222 = arith.index_cast %get3A_221 : i32 to index
    %get3A_223 = arith.constant 48 : index
    %get3A_224 = tpu.vector_load %arg9[%get3A_222, %get3A_223] {strides = array<i32>} : memref<4x128xi32, #tpu.memory_space<vmem>>, vector<16xi32>,
    %add3A_225 = arith.addi %get3A_224, %add3A_123 : vector<16xi32>
    %swap3A_226 = arith.constant 1 : i32
    %swap3A_227 = arith.index_cast %swap3A_226 : i32 to index
    %swap3A_228 = arith.constant 48 : index
    %swap3A_229 = tpu.vector_load %arg9[%swap3A_227, %swap3A_228] {strides = array<i32>} : memref<4x128xi32, #tpu.memory_space<vmem>>, vector<16xi32>,
    tpu.vector_store %arg9[%swap3A_227, %swap3A_228], %add3A_225 {strides = array<i32>} : memref<4x128xi32, #tpu.memory_space<vmem>>, vector<16xi32>,
    %get3A_230 = arith.constant 1 : i32
    %get3A_231 = arith.index_cast %get3A_230 : i32 to index
    %get3A_232 = arith.constant 64 : index
    %get3A_233 = tpu.vector_load %arg9[%get3A_231, %get3A_232] {strides = array<i32>} : memref<4x128xi32, #tpu.memory_space<vmem>>, vector<16xi32>,
    %add3A_234 = arith.addi %get3A_233, %add3A_123 : vector<16xi32>
    %swap3A_235 = arith.constant 1 : i32
    %swap3A_236 = arith.index_cast %swap3A_235 : i32 to index
    %swap3A_237 = arith.constant 64 : index
    %swap3A_238 = tpu.vector_load %arg9[%swap3A_236, %swap3A_237] {strides = array<i32>} : memref<4x128xi32, #tpu.memory_space<vmem>>, vector<16xi32>,
    tpu.vector_store %arg9[%swap3A_236, %swap3A_237], %add3A_234 {strides = array<i32>} : memref<4x128xi32, #tpu.memory_space<vmem>>, vector<16xi32>,
    %get3A_239 = arith.constant 1 : i32
    %get3A_240 = arith.index_cast %get3A_239 : i32 to index
    %get3A_241 = arith.constant 80 : index
    %get3A_242 = tpu.vector_load %arg9[%get3A_240, %get3A_241] {strides = array<i32>} : memref<4x128xi32, #tpu.memory_space<vmem>>, vector<16xi32>,
    %add3A_243 = arith.addi %get3A_242, %add3A_123 : vector<16xi32>
    %swap3A_244 = arith.constant 1 : i32
    %swap3A_245 = arith.index_cast %swap3A_244 : i32 to index
    %swap3A_246 = arith.constant 80 : index
    %swap3A_247 = tpu.vector_load %arg9[%swap3A_245, %swap3A_246] {strides = array<i32>} : memref<4x128xi32, #tpu.memory_space<vmem>>, vector<16xi32>,
    tpu.vector_store %arg9[%swap3A_245, %swap3A_246], %add3A_243 {strides = array<i32>} : memref<4x128xi32, #tpu.memory_space<vmem>>, vector<16xi32>,
    %get3A_248 = arith.constant 1 : i32
    %get3A_249 = arith.index_cast %get3A_248 : i32 to index
    %get3A_250 = arith.constant 96 : index
    %get3A_251 = tpu.vector_load %arg9[%get3A_249, %get3A_250] {strides = array<i32>} : memref<4x128xi32, #tpu.memory_space<vmem>>, vector<16xi32>,
    %add3A_252 = arith.addi %get3A_251, %add3A_123 : vector<16xi32>
    %swap3A_253 = arith.constant 1 : i32
    %swap3A_254 = arith.index_cast %swap3A_253 : i32 to index
    %swap3A_255 = arith.constant 96 : index
    %swap3A_256 = tpu.vector_load %arg9[%swap3A_254, %swap3A_255] {strides = array<i32>} : memref<4x128xi32, #tpu.memory_space<vmem>>, vector<16xi32>,
    tpu.vector_store %arg9[%swap3A_254, %swap3A_255], %add3A_252 {strides = array<i32>} : memref<4x128xi32, #tpu.memory_space<vmem>>, vector<16xi32>,
    %get3A_257 = arith.constant 1 : i32
    %get3A_258 = arith.index_cast %get3A_257 : i32 to index
    %get3A_259 = arith.constant 112 : index
    %get3A_260 = tpu.vector_load %arg9[%get3A_258, %get3A_259] {strides = array<i32>} : memref<4x128xi32, #tpu.memory_space<vmem>>, vector<16xi32>,
    %add3A_261 = arith.addi %get3A_260, %add3A_123 : vector<16xi32>
    %swap3A_262 = arith.constant 1 : i32
    %swap3A_263 = arith.index_cast %swap3A_262 : i32 to index
    %swap3A_264 = arith.constant 112 : index
    %swap3A_265 = tpu.vector_load %arg9[%swap3A_263, %swap3A_264] {strides = array<i32>} : memref<4x128xi32, #tpu.memory_space<vmem>>, vector<16xi32>,
    tpu.vector_store %arg9[%swap3A_263, %swap3A_264], %add3A_261 {strides = array<i32>} : memref<4x128xi32, #tpu.memory_space<vmem>>, vector<16xi32>,
    %get3A_266 = arith.constant 2 : i32
    %get3A_267 = arith.index_cast %get3A_266 : i32 to index
    %get3A_268 = arith.constant 0 : index
    %get3A_269 = tpu.vector_load %arg9[%get3A_267, %get3A_268] {strides = array<i32>} : memref<4x128xi32, #tpu.memory_space<vmem>>, vector<16xi32>,
    %add3A_270 = arith.addi %get3A_269, %add3A_123 : vector<16xi32>
    %swap3A_271 = arith.constant 2 : i32
    %swap3A_272 = arith.index_cast %swap3A_271 : i32 to index
    %swap3A_273 = arith.constant 0 : index
    %swap3A_274 = tpu.vector_load %arg9[%swap3A_272, %swap3A_273] {strides = array<i32>} : memref<4x128xi32, #tpu.memory_space<vmem>>, vector<16xi32>,
    tpu.vector_store %arg9[%swap3A_272, %swap3A_273], %add3A_270 {strides = array<i32>} : memref<4x128xi32, #tpu.memory_space<vmem>>, vector<16xi32>,
    %get3A_275 = arith.constant 2 : i32
    %get3A_276 = arith.index_cast %get3A_275 : i32 to index
    %get3A_277 = arith.constant 16 : index
    %get3A_278 = tpu.vector_load %arg9[%get3A_276, %get3A_277] {strides = array<i32>} : memref<4x128xi32, #tpu.memory_space<vmem>>, vector<16xi32>,
    %add3A_279 = arith.addi %get3A_278, %add3A_123 : vector<16xi32>
    %swap3A_280 = arith.constant 2 : i32
    %swap3A_281 = arith.index_cast %swap3A_280 : i32 to index
    %swap3A_282 = arith.constant 16 : index
    %swap3A_283 = tpu.vector_load %arg9[%swap3A_281, %swap3A_282] {strides = array<i32>} : memref<4x128xi32, #tpu.memory_space<vmem>>, vector<16xi32>,
    tpu.vector_store %arg9[%swap3A_281, %swap3A_282], %add3A_279 {strides = array<i32>} : memref<4x128xi32, #tpu.memory_space<vmem>>, vector<16xi32>,
    %get3A_284 = arith.constant 2 : i32
    %get3A_285 = arith.index_cast %get3A_284 : i32 to index
    %get3A_286 = arith.constant 32 : index
    %get3A_287 = tpu.vector_load %arg9[%get3A_285, %get3A_286] {strides = array<i32>} : memref<4x128xi32, #tpu.memory_space<vmem>>, vector<16xi32>,
    %add3A_288 = arith.addi %get3A_287, %add3A_123 : vector<16xi32>
    %swap3A_289 = arith.constant 2 : i32
    %swap3A_290 = arith.index_cast %swap3A_289 : i32 to index
    %swap3A_291 = arith.constant 32 : index
    %swap3A_292 = tpu.vector_load %arg9[%swap3A_290, %swap3A_291] {strides = array<i32>} : memref<4x128xi32, #tpu.memory_space<vmem>>, vector<16xi32>,
    tpu.vector_store %arg9[%swap3A_290, %swap3A_291], %add3A_288 {strides = array<i32>} : memref<4x128xi32, #tpu.memory_space<vmem>>, vector<16xi32>,
    %get3A_293 = arith.constant 2 : i32
    %get3A_294 = arith.index_cast %get3A_293 : i32 to index
    %get3A_295 = arith.constant 48 : index
    %get3A_296 = tpu.vector_load %arg9[%get3A_294, %get3A_295] {strides = array<i32>} : memref<4x128xi32, #tpu.memory_space<vmem>>, vector<16xi32>,
    %add3A_297 = arith.addi %get3A_296, %add3A_123 : vector<16xi32>
    %swap3A_298 = arith.constant 2 : i32
    %swap3A_299 = arith.index_cast %swap3A_298 : i32 to index
    %swap3A_300 = arith.constant 48 : index
    %swap3A_301 = tpu.vector_load %arg9[%swap3A_299, %swap3A_300] {strides = array<i32>} : memref<4x128xi32, #tpu.memory_space<vmem>>, vector<16xi32>,
    tpu.vector_store %arg9[%swap3A_299, %swap3A_300], %add3A_297 {strides = array<i32>} : memref<4x128xi32, #tpu.memory_space<vmem>>, vector<16xi32>,
    %get3A_302 = arith.constant 2 : i32
    %get3A_303 = arith.index_cast %get3A_302 : i32 to index
    %get3A_304 = arith.constant 64 : index
    %get3A_305 = tpu.vector_load %arg9[%get3A_303, %get3A_304] {strides = array<i32>} : memref<4x128xi32, #tpu.memory_space<vmem>>, vector<16xi32>,
    %add3A_306 = arith.addi %get3A_305, %add3A_123 : vector<16xi32>
    %swap3A_307 = arith.constant 2 : i32
    %swap3A_308 = arith.index_cast %swap3A_307 : i32 to index
    %swap3A_309 = arith.constant 64 : index
    %swap3A_310 = tpu.vector_load %arg9[%swap3A_308, %swap3A_309] {strides = array<i32>} : memref<4x128xi32, #tpu.memory_space<vmem>>, vector<16xi32>,
    tpu.vector_store %arg9[%swap3A_308, %swap3A_309], %add3A_306 {strides = array<i32>} : memref<4x128xi32, #tpu.memory_space<vmem>>, vector<16xi32>,
    %get3A_311 = arith.constant 2 : i32
    %get3A_312 = arith.index_cast %get3A_311 : i32 to index
    %get3A_313 = arith.constant 80 : index
    %get3A_314 = tpu.vector_load %arg9[%get3A_312, %get3A_313] {strides = array<i32>} : memref<4x128xi32, #tpu.memory_space<vmem>>, vector<16xi32>,
    %add3A_315 = arith.addi %get3A_314, %add3A_123 : vector<16xi32>
    %swap3A_316 = arith.constant 2 : i32
    %swap3A_317 = arith.index_cast %swap3A_316 : i32 to index
    %swap3A_318 = arith.constant 80 : index
    %swap3A_319 = tpu.vector_load %arg9[%swap3A_317, %swap3A_318] {strides = array<i32>} : memref<4x128xi32, #tpu.memory_space<vmem>>, vector<16xi32>,
    tpu.vector_store %arg9[%swap3A_317, %swap3A_318], %add3A_315 {strides = array<i32>} : memref<4x128xi32, #tpu.memory_space<vmem>>, vector<16xi32>,
    %get3A_320 = arith.constant 2 : i32
    %get3A_321 = arith.index_cast %get3A_320 : i32 to index
    %get3A_322 = arith.constant 96 : index
    %get3A_323 = tpu.vector_load %arg9[%get3A_321, %get3A_322] {strides = array<i32>} : memref<4x128xi32, #tpu.memory_space<vmem>>, vector<16xi32>,
    %add3A_324 = arith.addi %get3A_323, %add3A_123 : vector<16xi32>
    %swap3A_325 = arith.constant 2 : i32
    %swap3A_326 = arith.index_cast %swap3A_325 : i32 to index
    %swap3A_327 = arith.constant 96 : index
    %swap3A_328 = tpu.vector_load %arg9[%swap3A_326, %swap3A_327] {strides = array<i32>} : memref<4x128xi32, #tpu.memory_space<vmem>>, vector<16xi32>,
    tpu.vector_store %arg9[%swap3A_326, %swap3A_327], %add3A_324 {strides = array<i32>} : memref<4x128xi32, #tpu.memory_space<vmem>>, vector<16xi32>,
    %get3A_329 = arith.constant 2 : i32
    %get3A_330 = arith.index_cast %get3A_329 : i32 to index
    %get3A_331 = arith.constant 112 : index
    %get3A_332 = tpu.vector_load %arg9[%get3A_330, %get3A_331] {strides = array<i32>} : memref<4x128xi32, #tpu.memory_space<vmem>>, vector<16xi32>,
    %add3A_333 = arith.addi %get3A_332, %add3A_123 : vector<16xi32>
    %swap3A_334 = arith.constant 2 : i32
    %swap3A_335 = arith.index_cast %swap3A_334 : i32 to index
    %swap3A_336 = arith.constant 112 : index
    %swap3A_337 = tpu.vector_load %arg9[%swap3A_335, %swap3A_336] {strides = array<i32>} : memref<4x128xi32, #tpu.memory_space<vmem>>, vector<16xi32>,
    tpu.vector_store %arg9[%swap3A_335, %swap3A_336], %add3A_333 {strides = array<i32>} : memref<4x128xi32, #tpu.memory_space<vmem>>, vector<16xi32>,
    %get3A_338 = arith.constant 3 : i32
    %get3A_339 = arith.index_cast %get3A_338 : i32 to index
    %get3A_340 = arith.constant 0 : index
    %get3A_341 = tpu.vector_load %arg9[%get3A_339, %get3A_340] {strides = array<i32>} : memref<4x128xi32, #tpu.memory_space<vmem>>, vector<16xi32>,
    %add3A_342 = arith.addi %get3A_341, %add3A_123 : vector<16xi32>
    %swap3A_343 = arith.constant 3 : i32
    %swap3A_344 = arith.index_cast %swap3A_343 : i32 to index
    %swap3A_345 = arith.constant 0 : index
    %swap3A_346 = tpu.vector_load %arg9[%swap3A_344, %swap3A_345] {strides = array<i32>} : memref<4x128xi32, #tpu.memory_space<vmem>>, vector<16xi32>,
    tpu.vector_store %arg9[%swap3A_344, %swap3A_345], %add3A_342 {strides = array<i32>} : memref<4x128xi32, #tpu.memory_space<vmem>>, vector<16xi32>,
    %get3A_347 = arith.constant 3 : i32
    %get3A_348 = arith.index_cast %get3A_347 : i32 to index
    %get3A_349 = arith.constant 16 : index
    %get3A_350 = tpu.vector_load %arg9[%get3A_348, %get3A_349] {strides = array<i32>} : memref<4x128xi32, #tpu.memory_space<vmem>>, vector<16xi32>,
    %add3A_351 = arith.addi %get3A_350, %add3A_123 : vector<16xi32>
    %swap3A_352 = arith.constant 3 : i32
    %swap3A_353 = arith.index_cast %swap3A_352 : i32 to index
    %swap3A_354 = arith.constant 16 : index
    %swap3A_355 = tpu.vector_load %arg9[%swap3A_353, %swap3A_354] {strides = array<i32>} : memref<4x128xi32, #tpu.memory_space<vmem>>, vector<16xi32>,
    tpu.vector_store %arg9[%swap3A_353, %swap3A_354], %add3A_351 {strides = array<i32>} : memref<4x128xi32, #tpu.memory_space<vmem>>, vector<16xi32>,
    %get3A_356 = arith.constant 3 : i32
    %get3A_357 = arith.index_cast %get3A_356 : i32 to index
    %get3A_358 = arith.constant 32 : index
    %get3A_359 = tpu.vector_load %arg9[%get3A_357, %get3A_358] {strides = array<i32>} : memref<4x128xi32, #tpu.memory_space<vmem>>, vector<16xi32>,
    %add3A_360 = arith.addi %get3A_359, %add3A_123 : vector<16xi32>
    %swap3A_361 = arith.constant 3 : i32
    %swap3A_362 = arith.index_cast %swap3A_361 : i32 to index
    %swap3A_363 = arith.constant 32 : index
    %swap3A_364 = tpu.vector_load %arg9[%swap3A_362, %swap3A_363] {strides = array<i32>} : memref<4x128xi32, #tpu.memory_space<vmem>>, vector<16xi32>,
    tpu.vector_store %arg9[%swap3A_362, %swap3A_363], %add3A_360 {strides = array<i32>} : memref<4x128xi32, #tpu.memory_space<vmem>>, vector<16xi32>,
    %get3A_365 = arith.constant 3 : i32
    %get3A_366 = arith.index_cast %get3A_365 : i32 to index
    %get3A_367 = arith.constant 48 : index
    %get3A_368 = tpu.vector_load %arg9[%get3A_366, %get3A_367] {strides = array<i32>} : memref<4x128xi32, #tpu.memory_space<vmem>>, vector<16xi32>,
    %add3A_369 = arith.addi %get3A_368, %add3A_123 : vector<16xi32>
    %swap3A_370 = arith.constant 3 : i32
    %swap3A_371 = arith.index_cast %swap3A_370 : i32 to index
    %swap3A_372 = arith.constant 48 : index
    %swap3A_373 = tpu.vector_load %arg9[%swap3A_371, %swap3A_372] {strides = array<i32>} : memref<4x128xi32, #tpu.memory_space<vmem>>, vector<16xi32>,
    tpu.vector_store %arg9[%swap3A_371, %swap3A_372], %add3A_369 {strides = array<i32>} : memref<4x128xi32, #tpu.memory_space<vmem>>, vector<16xi32>,
    %get3A_374 = arith.constant 3 : i32
    %get3A_375 = arith.index_cast %get3A_374 : i32 to index
    %get3A_376 = arith.constant 64 : index
    %get3A_377 = tpu.vector_load %arg9[%get3A_375, %get3A_376] {strides = array<i32>} : memref<4x128xi32, #tpu.memory_space<vmem>>, vector<16xi32>,
    %add3A_378 = arith.addi %get3A_377, %add3A_123 : vector<16xi32>
    %swap3A_379 = arith.constant 3 : i32
    %swap3A_380 = arith.index_cast %swap3A_379 : i32 to index
    %swap3A_381 = arith.constant 64 : index
    %swap3A_382 = tpu.vector_load %arg9[%swap3A_380, %swap3A_381] {strides = array<i32>} : memref<4x128xi32, #tpu.memory_space<vmem>>, vector<16xi32>,
    tpu.vector_store %arg9[%swap3A_380, %swap3A_381], %add3A_378 {strides = array<i32>} : memref<4x128xi32, #tpu.memory_space<vmem>>, vector<16xi32>,
    %get3A_383 = arith.constant 3 : i32
    %get3A_384 = arith.index_cast %get3A_383 : i32 to index
    %get3A_385 = arith.constant 80 : index
    %get3A_386 = tpu.vector_load %arg9[%get3A_384, %get3A_385] {strides = array<i32>} : memref<4x128xi32, #tpu.memory_space<vmem>>, vector<16xi32>,
    %add3A_387 = arith.addi %get3A_386, %add3A_123 : vector<16xi32>
    %swap3A_388 = arith.constant 3 : i32
    %swap3A_389 = arith.index_cast %swap3A_388 : i32 to index
    %swap3A_390 = arith.constant 80 : index
    %swap3A_391 = tpu.vector_load %arg9[%swap3A_389, %swap3A_390] {strides = array<i32>} : memref<4x128xi32, #tpu.memory_space<vmem>>, vector<16xi32>,
    tpu.vector_store %arg9[%swap3A_389, %swap3A_390], %add3A_387 {strides = array<i32>} : memref<4x128xi32, #tpu.memory_space<vmem>>, vector<16xi32>,
    %get3A_392 = arith.constant 3 : i32
    %get3A_393 = arith.index_cast %get3A_392 : i32 to index
    %get3A_394 = arith.constant 96 : index
    %get3A_395 = tpu.vector_load %arg9[%get3A_393, %get3A_394] {strides = array<i32>} : memref<4x128xi32, #tpu.memory_space<vmem>>, vector<16xi32>,
    %add3A_396 = arith.addi %get3A_395, %add3A_123 : vector<16xi32>
    %swap3A_397 = arith.constant 3 : i32
    %swap3A_398 = arith.index_cast %swap3A_397 : i32 to index
    %swap3A_399 = arith.constant 96 : index
    %swap3A_400 = tpu.vector_load %arg9[%swap3A_398, %swap3A_399] {strides = array<i32>} : memref<4x128xi32, #tpu.memory_space<vmem>>, vector<16xi32>,
    tpu.vector_store %arg9[%swap3A_398, %swap3A_399], %add3A_396 {strides = array<i32>} : memref<4x128xi32, #tpu.memory_space<vmem>>, vector<16xi32>,
    %get3A_401 = arith.constant 3 : i32
    %get3A_402 = arith.index_cast %get3A_401 : i32 to index
    %get3A_403 = arith.constant 112 : index
    %get3A_404 = tpu.vector_load %arg9[%get3A_402, %get3A_403] {strides = array<i32>} : memref<4x128xi32, #tpu.memory_space<vmem>>, vector<16xi32>,
    %add3A_405 = arith.addi %get3A_404, %add3A_123 : vector<16xi32>
    %swap3A_406 = arith.constant 3 : i32
    %swap3A_407 = arith.index_cast %swap3A_406 : i32 to index
    %swap3A_408 = arith.constant 112 : index
    %swap3A_409 = tpu.vector_load %arg9[%swap3A_407, %swap3A_408] {strides = array<i32>} : memref<4x128xi32, #tpu.memory_space<vmem>>, vector<16xi32>,
    tpu.vector_store %arg9[%swap3A_407, %swap3A_408], %add3A_405 {strides = array<i32>} : memref<4x128xi32, #tpu.memory_space<vmem>>, vector<16xi32>,
    %barrier3A = arith.constant 0 : index
    tpu.barrier barrier_id(%barrier3A)
    %dma_wait3A_410 = arith.constant 0 : i32
    %dma_wait3A_411 = tpu.memref_slice %arg2[%add3A_4, %dma_wait3A_410] : memref<16384x128xf32, #tpu.memory_space<hbm>> -> memref<128x128xf32, #tpu.memory_space<hbm>>
    %dma_wait3A_412 = arith.constant 0 : i32
    %dma_wait3A_413 = tpu.memref_slice %arg2[%add3A_4, %dma_wait3A_412] : memref<16384x128xf32, #tpu.memory_space<hbm>> -> memref<128x128xf32, #tpu.memory_space<hbm>>
    tpu.wait_dma2 semaphore(%arg12 : memref<!tpu.dma_semaphore, #tpu.memory_space<semaphore_mem>>) src(%dma_wait3A_413 : memref<128x128xf32, #tpu.memory_space<hbm>>) dst(%arg5 : memref<128x128xf32, #tpu.memory_space<vmem>>)
    %dma_start3A_414 = arith.constant 0 : i32
    %dma_start3A_415 = arith.constant 0 : i32
    %dma_start3A_416 = tpu.memref_slice %arg9[%dma_start3A_414, %dma_start3A_415] : memref<4x128xi32, #tpu.memory_space<vmem>> -> memref<1x128xi32, #tpu.memory_space<vmem>>
    %dma_start3A_417 = tpu.memref_squeeze %dma_start3A_416 : memref<1x128xi32, #tpu.memory_space<vmem>> -> memref<128xi32, #tpu.memory_space<vmem>>
    %dma_start3A_418 = arith.constant 0 : i32
    %dma_start3A_419 = arith.constant 0 : i32
    %dma_start3A_420 = tpu.memref_slice %arg11[%dma_start3A_418, %dma_start3A_419] : memref<64x128xf32, #tpu.memory_space<vmem_shared>> -> memref<64x128xf32, #tpu.memory_space<vmem_shared>>
    tpu.enqueue_indirect_dma source(%arg5 : memref<128x128xf32, #tpu.memory_space<vmem>>) target(%dma_start3A_420 : memref<64x128xf32, #tpu.memory_space<vmem_shared>>) offsets(%dma_start3A_417 : memref<128xi32, #tpu.memory_space<vmem>>) semaphore(%arg16 : memref<!tpu.dma_semaphore, #tpu.memory_space<semaphore_mem>>) {add = true}
    %dma_wait3A_421 = arith.constant 0 : i32
    %dma_wait3A_422 = tpu.memref_slice %arg2[%add3A_9, %dma_wait3A_421] : memref<16384x128xf32, #tpu.memory_space<hbm>> -> memref<128x128xf32, #tpu.memory_space<hbm>>
    %dma_wait3A_423 = arith.constant 0 : i32
    %dma_wait3A_424 = tpu.memref_slice %arg2[%add3A_9, %dma_wait3A_423] : memref<16384x128xf32, #tpu.memory_space<hbm>> -> memref<128x128xf32, #tpu.memory_space<hbm>>
    tpu.wait_dma2 semaphore(%arg13 : memref<!tpu.dma_semaphore, #tpu.memory_space<semaphore_mem>>) src(%dma_wait3A_424 : memref<128x128xf32, #tpu.memory_space<hbm>>) dst(%arg6 : memref<128x128xf32, #tpu.memory_space<vmem>>)
    %dma_start3A_425 = arith.constant 1 : i32
    %dma_start3A_426 = arith.constant 0 : i32
    %dma_start3A_427 = tpu.memref_slice %arg9[%dma_start3A_425, %dma_start3A_426] : memref<4x128xi32, #tpu.memory_space<vmem>> -> memref<1x128xi32, #tpu.memory_space<vmem>>
    %dma_start3A_428 = tpu.memref_squeeze %dma_start3A_427 : memref<1x128xi32, #tpu.memory_space<vmem>> -> memref<128xi32, #tpu.memory_space<vmem>>
    %dma_start3A_429 = arith.constant 0 : i32
    %dma_start3A_430 = arith.constant 0 : i32
    %dma_start3A_431 = tpu.memref_slice %arg11[%dma_start3A_429, %dma_start3A_430] : memref<64x128xf32, #tpu.memory_space<vmem_shared>> -> memref<64x128xf32, #tpu.memory_space<vmem_shared>>
    tpu.enqueue_indirect_dma source(%arg6 : memref<128x128xf32, #tpu.memory_space<vmem>>) target(%dma_start3A_431 : memref<64x128xf32, #tpu.memory_space<vmem_shared>>) offsets(%dma_start3A_428 : memref<128xi32, #tpu.memory_space<vmem>>) semaphore(%arg17 : memref<!tpu.dma_semaphore, #tpu.memory_space<semaphore_mem>>) {add = true}
    %dma_wait3A_432 = arith.constant 0 : i32
    %dma_wait3A_433 = tpu.memref_slice %arg2[%add3A_15, %dma_wait3A_432] : memref<16384x128xf32, #tpu.memory_space<hbm>> -> memref<128x128xf32, #tpu.memory_space<hbm>>
    %dma_wait3A_434 = arith.constant 0 : i32
    %dma_wait3A_435 = tpu.memref_slice %arg2[%add3A_15, %dma_wait3A_434] : memref<16384x128xf32, #tpu.memory_space<hbm>> -> memref<128x128xf32, #tpu.memory_space<hbm>>
    tpu.wait_dma2 semaphore(%arg14 : memref<!tpu.dma_semaphore, #tpu.memory_space<semaphore_mem>>) src(%dma_wait3A_435 : memref<128x128xf32, #tpu.memory_space<hbm>>) dst(%arg7 : memref<128x128xf32, #tpu.memory_space<vmem>>)
    %dma_start3A_436 = arith.constant 2 : i32
    %dma_start3A_437 = arith.constant 0 : i32
    %dma_start3A_438 = tpu.memref_slice %arg9[%dma_start3A_436, %dma_start3A_437] : memref<4x128xi32, #tpu.memory_space<vmem>> -> memref<1x128xi32, #tpu.memory_space<vmem>>
    %dma_start3A_439 = tpu.memref_squeeze %dma_start3A_438 : memref<1x128xi32, #tpu.memory_space<vmem>> -> memref<128xi32, #tpu.memory_space<vmem>>
    %dma_start3A_440 = arith.constant 0 : i32
    %dma_start3A_441 = arith.constant 0 : i32
    %dma_start3A_442 = tpu.memref_slice %arg11[%dma_start3A_440, %dma_start3A_441] : memref<64x128xf32, #tpu.memory_space<vmem_shared>> -> memref<64x128xf32, #tpu.memory_space<vmem_shared>>
    tpu.enqueue_indirect_dma source(%arg7 : memref<128x128xf32, #tpu.memory_space<vmem>>) target(%dma_start3A_442 : memref<64x128xf32, #tpu.memory_space<vmem_shared>>) offsets(%dma_start3A_439 : memref<128xi32, #tpu.memory_space<vmem>>) semaphore(%arg18 : memref<!tpu.dma_semaphore, #tpu.memory_space<semaphore_mem>>) {add = true}
    %dma_wait3A_443 = arith.constant 0 : i32
    %dma_wait3A_444 = tpu.memref_slice %arg2[%add3A_21, %dma_wait3A_443] : memref<16384x128xf32, #tpu.memory_space<hbm>> -> memref<128x128xf32, #tpu.memory_space<hbm>>
    %dma_wait3A_445 = arith.constant 0 : i32
    %dma_wait3A_446 = tpu.memref_slice %arg2[%add3A_21, %dma_wait3A_445] : memref<16384x128xf32, #tpu.memory_space<hbm>> -> memref<128x128xf32, #tpu.memory_space<hbm>>
    tpu.wait_dma2 semaphore(%arg15 : memref<!tpu.dma_semaphore, #tpu.memory_space<semaphore_mem>>) src(%dma_wait3A_446 : memref<128x128xf32, #tpu.memory_space<hbm>>) dst(%arg8 : memref<128x128xf32, #tpu.memory_space<vmem>>)
    %dma_start3A_447 = arith.constant 3 : i32
    %dma_start3A_448 = arith.constant 0 : i32
    %dma_start3A_449 = tpu.memref_slice %arg9[%dma_start3A_447, %dma_start3A_448] : memref<4x128xi32, #tpu.memory_space<vmem>> -> memref<1x128xi32, #tpu.memory_space<vmem>>
    %dma_start3A_450 = tpu.memref_squeeze %dma_start3A_449 : memref<1x128xi32, #tpu.memory_space<vmem>> -> memref<128xi32, #tpu.memory_space<vmem>>
    %dma_start3A_451 = arith.constant 0 : i32
    %dma_start3A_452 = arith.constant 0 : i32
    %dma_start3A_453 = tpu.memref_slice %arg11[%dma_start3A_451, %dma_start3A_452] : memref<64x128xf32, #tpu.memory_space<vmem_shared>> -> memref<64x128xf32, #tpu.memory_space<vmem_shared>>
    tpu.enqueue_indirect_dma source(%arg8 : memref<128x128xf32, #tpu.memory_space<vmem>>) target(%dma_start3A_453 : memref<64x128xf32, #tpu.memory_space<vmem_shared>>) offsets(%dma_start3A_450 : memref<128xi32, #tpu.memory_space<vmem>>) semaphore(%arg19 : memref<!tpu.dma_semaphore, #tpu.memory_space<semaphore_mem>>) {add = true}
    %dma_wait3A_454 = arith.constant 0 : i32
    %dma_wait3A_455 = arith.constant 0 : i32
    %dma_wait3A_456 = tpu.memref_slice %arg9[%dma_wait3A_454, %dma_wait3A_455] : memref<4x128xi32, #tpu.memory_space<vmem>> -> memref<1x128xi32, #tpu.memory_space<vmem>>
    %dma_wait3A_457 = tpu.memref_squeeze %dma_wait3A_456 : memref<1x128xi32, #tpu.memory_space<vmem>> -> memref<128xi32, #tpu.memory_space<vmem>>
    %dma_wait3A_458 = arith.constant 0 : i32
    %dma_wait3A_459 = arith.constant 0 : i32
    %dma_wait3A_460 = tpu.memref_slice %arg11[%dma_wait3A_458, %dma_wait3A_459] : memref<64x128xf32, #tpu.memory_space<vmem_shared>> -> memref<64x128xf32, #tpu.memory_space<vmem_shared>>
    tpu.wait_indirect_dma semaphore(%arg16 : memref<!tpu.dma_semaphore, #tpu.memory_space<semaphore_mem>>) src(%arg5 : memref<128x128xf32, #tpu.memory_space<vmem>>) dst(%dma_wait3A_460 : memref<64x128xf32, #tpu.memory_space<vmem_shared>>)
    %dma_wait3A_461 = arith.constant 1 : i32
    %dma_wait3A_462 = arith.constant 0 : i32
    %dma_wait3A_463 = tpu.memref_slice %arg9[%dma_wait3A_461, %dma_wait3A_462] : memref<4x128xi32, #tpu.memory_space<vmem>> -> memref<1x128xi32, #tpu.memory_space<vmem>>
    %dma_wait3A_464 = tpu.memref_squeeze %dma_wait3A_463 : memref<1x128xi32, #tpu.memory_space<vmem>> -> memref<128xi32, #tpu.memory_space<vmem>>
    %dma_wait3A_465 = arith.constant 0 : i32
    %dma_wait3A_466 = arith.constant 0 : i32
    %dma_wait3A_467 = tpu.memref_slice %arg11[%dma_wait3A_465, %dma_wait3A_466] : memref<64x128xf32, #tpu.memory_space<vmem_shared>> -> memref<64x128xf32, #tpu.memory_space<vmem_shared>>
    tpu.wait_indirect_dma semaphore(%arg17 : memref<!tpu.dma_semaphore, #tpu.memory_space<semaphore_mem>>) src(%arg6 : memref<128x128xf32, #tpu.memory_space<vmem>>) dst(%dma_wait3A_467 : memref<64x128xf32, #tpu.memory_space<vmem_shared>>)
    %dma_wait3A_468 = arith.constant 2 : i32
    %dma_wait3A_469 = arith.constant 0 : i32
    %dma_wait3A_470 = tpu.memref_slice %arg9[%dma_wait3A_468, %dma_wait3A_469] : memref<4x128xi32, #tpu.memory_space<vmem>> -> memref<1x128xi32, #tpu.memory_space<vmem>>
    %dma_wait3A_471 = tpu.memref_squeeze %dma_wait3A_470 : memref<1x128xi32, #tpu.memory_space<vmem>> -> memref<128xi32, #tpu.memory_space<vmem>>
    %dma_wait3A_472 = arith.constant 0 : i32
    %dma_wait3A_473 = arith.constant 0 : i32
    %dma_wait3A_474 = tpu.memref_slice %arg11[%dma_wait3A_472, %dma_wait3A_473] : memref<64x128xf32, #tpu.memory_space<vmem_shared>> -> memref<64x128xf32, #tpu.memory_space<vmem_shared>>
    tpu.wait_indirect_dma semaphore(%arg18 : memref<!tpu.dma_semaphore, #tpu.memory_space<semaphore_mem>>) src(%arg7 : memref<128x128xf32, #tpu.memory_space<vmem>>) dst(%dma_wait3A_474 : memref<64x128xf32, #tpu.memory_space<vmem_shared>>)
    %dma_wait3A_475 = arith.constant 3 : i32
    %dma_wait3A_476 = arith.constant 0 : i32
    %dma_wait3A_477 = tpu.memref_slice %arg9[%dma_wait3A_475, %dma_wait3A_476] : memref<4x128xi32, #tpu.memory_space<vmem>> -> memref<1x128xi32, #tpu.memory_space<vmem>>
    %dma_wait3A_478 = tpu.memref_squeeze %dma_wait3A_477 : memref<1x128xi32, #tpu.memory_space<vmem>> -> memref<128xi32, #tpu.memory_space<vmem>>
    %dma_wait3A_479 = arith.constant 0 : i32
    %dma_wait3A_480 = arith.constant 0 : i32
    %dma_wait3A_481 = tpu.memref_slice %arg11[%dma_wait3A_479, %dma_wait3A_480] : memref<64x128xf32, #tpu.memory_space<vmem_shared>> -> memref<64x128xf32, #tpu.memory_space<vmem_shared>>
    tpu.wait_indirect_dma semaphore(%arg19 : memref<!tpu.dma_semaphore, #tpu.memory_space<semaphore_mem>>) src(%arg8 : memref<128x128xf32, #tpu.memory_space<vmem>>) dst(%dma_wait3A_481 : memref<64x128xf32, #tpu.memory_space<vmem_shared>>)
    %barrier3A_482 = arith.constant 0 : index
    tpu.barrier barrier_id(%barrier3A_482)
    %eq3A_483 = arith.constant 0 : i32
    %eq3A_484 = arith.cmpi eq, %arg1, %eq3A_483 : i32
    %convert_element_type3A_485 = arith.extui %eq3A_484 : i1 to i32
    %cond3A_486 = arith.constant 0 : i32
    %cond3A_487 = arith.cmpi ne, %convert_element_type3A_485, %cond3A_486 : i32
    scf.if %cond3A_487 {
      %mul3A_488 = arith.constant 2 : i32
      %mul3A_489 = arith.muli %arg0, %mul3A_488 : i32
      %mul3A_490 = arith.constant 32 : i32
      %mul3A_491 = arith.muli %mul3A_489, %mul3A_490 : i32
      "tpu.region"() ({
        %run_scoped3A = tpu.sem_alloc : memref<!tpu.dma_semaphore, #tpu.memory_space<semaphore_mem>>
        %dma_start3A_492 = arith.constant 0 : i32
        %dma_start3A_493 = tpu.memref_slice %arg4[%mul3A_491, %dma_start3A_492] : memref<128x128xf32, #tpu.memory_space<hbm>> -> memref<64x128xf32, #tpu.memory_space<hbm>>
        tpu.enqueue_dma source(%arg11 : memref<64x128xf32, #tpu.memory_space<vmem_shared>>) target(%dma_start3A_493 : memref<64x128xf32, #tpu.memory_space<hbm>>) target_semaphore(%run_scoped3A : memref<!tpu.dma_semaphore, #tpu.memory_space<semaphore_mem>>)
        %dma_wait3A_494 = arith.constant 0 : i32
        %dma_wait3A_495 = tpu.memref_slice %arg4[%mul3A_491, %dma_wait3A_494] : memref<128x128xf32, #tpu.memory_space<hbm>> -> memref<64x128xf32, #tpu.memory_space<hbm>>
        tpu.wait_dma2 semaphore(%run_scoped3A : memref<!tpu.dma_semaphore, #tpu.memory_space<semaphore_mem>>) src(%arg11 : memref<64x128xf32, #tpu.memory_space<vmem_shared>>) dst(%dma_wait3A_495 : memref<64x128xf32, #tpu.memory_space<hbm>>)
        tpu.yield
      }) : () -> ()
    } else {
    }
    return
  }
}

module attributes {stable_mosaic.version = 14 : i64} {
  func.func @_fin_body(%arg0: memref<128x128xf32, #tpu.memory_space<vmem>>, %arg1: memref<26x128xf32, #tpu.memory_space<vmem>>, %arg2: memref<26x26xf32, #tpu.memory_space<vmem>>, %arg3: memref<1x1xf32, #tpu.memory_space<vmem>>) attributes {dimension_semantics = [], scalar_prefetch = 0 : i64, scratch_operands = 0 : i64, tpu.core_type = #tpu.core_type<tc>} {
    %get3A = arith.constant 0 : index
    %get3A_0 = arith.constant 0 : index
    %get3A_1 = vector.load %arg0[%get3A, %get3A_0] : memref<128x128xf32, #tpu.memory_space<vmem>>, vector<32x128xf32>
    %get3A_2 = arith.constant 32 : index
    %get3A_3 = arith.constant 0 : index
    %get3A_4 = vector.load %arg0[%get3A_2, %get3A_3] : memref<128x128xf32, #tpu.memory_space<vmem>>, vector<32x128xf32>
    %add3A = arith.addf %get3A_1, %get3A_4 : vector<32x128xf32>
    %get3A_5 = arith.constant 64 : index
    %get3A_6 = arith.constant 0 : index
    %get3A_7 = vector.load %arg0[%get3A_5, %get3A_6] : memref<128x128xf32, #tpu.memory_space<vmem>>, vector<32x128xf32>
    %add3A_8 = arith.addf %add3A, %get3A_7 : vector<32x128xf32>
    %get3A_9 = arith.constant 96 : index
    %get3A_10 = arith.constant 0 : index
    %get3A_11 = vector.load %arg0[%get3A_9, %get3A_10] : memref<128x128xf32, #tpu.memory_space<vmem>>, vector<32x128xf32>
    %add3A_12 = arith.addf %add3A_8, %get3A_11 : vector<32x128xf32>
    %slice3A = vector.extract_strided_slice %add3A_12 {offsets = [0, 0], sizes = [26, 128], strides = [1, 1]} : vector<32x128xf32> to vector<26x128xf32>
    %get3A_13 = arith.constant 0 : index
    %get3A_14 = arith.constant 0 : index
    %get3A_15 = vector.load %arg1[%get3A_13, %get3A_14] : memref<26x128xf32, #tpu.memory_space<vmem>>, vector<26x128xf32>
    %mul3A = arith.mulf %get3A_15, %get3A_15 : vector<26x128xf32>
    %reduce_sum3A = arith.constant dense<0.000000e+00> : vector<26xf32>
    %reduce_sum3A_16 = vector.multi_reduction <add>, %mul3A, %reduce_sum3A [1] : vector<26x128xf32> to vector<26xf32>
    %broadcast_in_dim3A = vector.shape_cast %reduce_sum3A_16 : vector<26xf32> to vector<26x1xf32>
    %sqrt3A = math.sqrt %broadcast_in_dim3A : vector<26x1xf32>
    %max3A = arith.constant 9.99999996E-13 : f32
    %max3A_17 = vector.broadcast %max3A : f32 to vector<26x1xf32>
    %max3A_18 = arith.maximumf %sqrt3A, %max3A_17 : vector<26x1xf32>
    %div3A = vector.broadcast %max3A_18 : vector<26x1xf32> to vector<26x128xf32>
    %div3A_19 = arith.divf %get3A_15, %div3A : vector<26x128xf32>
    %mul3A_20 = arith.mulf %slice3A, %div3A_19 : vector<26x128xf32>
    %reduce_sum3A_21 = vector.shape_cast %mul3A_20 : vector<26x128xf32> to vector<1x26x128xf32>
    %reduce_sum3A_22 = arith.constant dense<0.000000e+00> : vector<1xf32>
    %reduce_sum3A_23 = vector.multi_reduction <add>, %reduce_sum3A_21, %reduce_sum3A_22 [1, 2] : vector<1x26x128xf32> to vector<1xf32>
    %reduce_sum3A_24 = vector.shape_cast %reduce_sum3A_23 : vector<1xf32> to vector<1x1x1xf32>
    %reduce_sum3A_25 = vector.extract %reduce_sum3A_24[0, 0, 0] : f32 from vector<1x1x1xf32>
    %iota3A = tpu.iota {dimensions = array<i32: 0>} : vector<26x26xi32>
    %iota3A_26 = tpu.iota {dimensions = array<i32: 1>} : vector<26x26xi32>
    %eq3A = arith.cmpi eq, %iota3A, %iota3A_26 : vector<26x26xi32>
    %get3A_27 = arith.constant 0 : index
    %get3A_28 = arith.constant 0 : index
    %get3A_29 = vector.load %arg2[%get3A_27, %get3A_28] : memref<26x26xf32, #tpu.memory_space<vmem>>, vector<26x26xf32>
    %jit3A = arith.constant 0.000000e+00 : f32
    %broadcast_in_dim3A_30 = vector.broadcast %jit3A : f32 to vector<26x26xf32>
    %select_n3A = arith.select %eq3A, %broadcast_in_dim3A_30, %get3A_29 : vector<26x26xi1>, vector<26x26xf32>
    %reduce_sum3A_31 = arith.constant dense<0.000000e+00> : vector<26xf32>
    %reduce_sum3A_32 = vector.multi_reduction <add>, %select_n3A, %reduce_sum3A_31 [1] : vector<26x26xf32> to vector<26xf32>
    %broadcast_in_dim3A_33 = vector.shape_cast %reduce_sum3A_32 : vector<26xf32> to vector<26x1xf32>
    %add3A_34 = arith.constant 9.99999993E-9 : f32
    %add3A_35 = vector.broadcast %add3A_34 : f32 to vector<26x1xf32>
    %add3A_36 = arith.addf %broadcast_in_dim3A_33, %add3A_35 : vector<26x1xf32>
    %div3A_37 = vector.broadcast %add3A_36 : vector<26x1xf32> to vector<26x26xf32>
    %div3A_38 = arith.divf %select_n3A, %div3A_37 : vector<26x26xf32>
    %dot_general3A = arith.constant dense<0.000000e+00> : vector<26x128xf32>
    %dot_general3A_39 = tpu.matmul %div3A_38, %div3A_19, %dot_general3A {dimension_numbers = #tpu.dot_dimension_numbers<[1], [0], [0], [1], [0, 0, 1, 1], [], []>, transpose_lhs_hint = false} : vector<26x26xf32>, vector<26x128xf32>, vector<26x128xf32> -> vector<26x128xf32>
    %mul3A_40 = arith.mulf %div3A_19, %dot_general3A_39 : vector<26x128xf32>
    %reduce_sum3A_41 = vector.shape_cast %mul3A_40 : vector<26x128xf32> to vector<1x26x128xf32>
    %reduce_sum3A_42 = arith.constant dense<0.000000e+00> : vector<1xf32>
    %reduce_sum3A_43 = vector.multi_reduction <add>, %reduce_sum3A_41, %reduce_sum3A_42 [1, 2] : vector<1x26x128xf32> to vector<1xf32>
    %reduce_sum3A_44 = vector.shape_cast %reduce_sum3A_43 : vector<1xf32> to vector<1x1x1xf32>
    %reduce_sum3A_45 = vector.extract %reduce_sum3A_44[0, 0, 0] : f32 from vector<1x1x1xf32>
    %div3A_46 = arith.constant 2.600000e+01 : f32
    %div3A_47 = arith.divf %reduce_sum3A_45, %div3A_46 : f32
    %sub3A = arith.constant 1.000000e+00 : f32
    %sub3A_48 = arith.subf %sub3A, %div3A_47 : f32
    %div3A_49 = arith.constant 1.638400e+04 : f32
    %div3A_50 = arith.divf %reduce_sum3A_25, %div3A_49 : f32
    %sub3A_51 = arith.constant 1.000000e+00 : f32
    %sub3A_52 = arith.subf %sub3A_51, %div3A_50 : f32
    %mul3A_53 = arith.constant 5.000000e-01 : f32
    %mul3A_54 = arith.mulf %mul3A_53, %sub3A_48 : f32
    %add3A_55 = arith.addf %sub3A_52, %mul3A_54 : f32
    %reshape3A = vector.broadcast %add3A_55 : f32 to vector<1x1xf32>
    %swap3A = arith.constant 0 : index
    %swap3A_56 = arith.constant 0 : index
    %swap3A_57 = vector.load %arg3[%swap3A, %swap3A_56] : memref<1x1xf32, #tpu.memory_space<vmem>>, vector<1x1xf32>
    tpu.vector_store %arg3[%swap3A, %swap3A_56], %reshape3A {strides = array<i32>} : memref<1x1xf32, #tpu.memory_space<vmem>>, vector<1x1xf32>,
    return
  }
}

</mosaic_0001>

<sc_bundles>
// kernel: kernel.4.cloned.1.call-start
scs
__scs_entry_jumppad:
0x0: {  	(pc) =	sbr.rel $0x88, $3  }
0x1: {  	(tag) =	ssettag $0x0;
	lr =	simm.s32 $0x1  }
0x2: {  	[smem:$0x3F9D] =	sst lr;
	_ =	strace $0xD0000000  }
0x3: {  	_ = 	snop  }
0x4: {  	_ = 	snop  }
0x5: {  	_ = 	snop  }
0x6: {  	_ = 	snop  }
0x7: {  	_ = 	snop  }
__scs_overlays_trampoline_lowered:
0x8: {  	[smem:$0x3FAC] =	sst s0  }
0x9: {  	[smem:$0x3FAD] =	sst s1  }
0xa: {  	[smem:$0x3FAE] =	sst s2  }
0xb: {  	[smem:$0x3FAF] =	sst s3  }
0xc: {  	[smem:$0x3FB0] =	sst s4  }
0xd: {  	[smem:$0x3FB1] =	sst s5  }
0xe: {  	[smem:$0x3FB2] =	sst s6  }
0xf: {  	[smem:$0x3FB3] =	sst s7  }
0x10: {  	[smem:$0x3FB4] =	sst s8  }
0x11: {  	[smem:$0x3FB5] =	sst s9;
	s0 =	simm.s32 @!p0 $0x0  }
0x12: {  	s1 =	sld [smem:$0x3F9B];
	s0 =	simm.s32 @p0 $0x1  }
0x13: {  	[smem:$0x3FB6] =	sst s0;
	s0 =	simm.s32 @!p1 $0x0  }
0x14: {  	s2 =	sld [smem:$0x3F9A];
	s0 =	simm.s32 @p1 $0x1  }
0x15: {  	[smem:$0x3FB7] =	sst s0;
	s0 =	simm.s32 @!p2 $0x0  }
0x16: {  	s3 =	sld [smem:$0x3FDB];
	s0 =	simm.s32 @p2 $0x1  }
0x17: {  	s4 =	simm.s32 $0x1BF5;
	[smem:$0x3FB9] =	sst s0  }
0x18: {  	s0 =	sld [smem:$0x3F9C];
	_ =	swait.ge [sflag:s4], $0x0  }
0x19: {  	s7 =	sld [smem:$0x3F9D]  }
0x1a: {  	s8 =	sadd.s32 $0xFFFFE003, lr  }
0x1b: {  	s9 =	sadd.s32 $0xFFFFFEF7, lr;
	s5 =	simm.s32 $0xFFFFFFFF;
	p2 =	slt.u32 s8, $0xFFFFF086  }
0x1c: {  	p1 =	slt.u32 s9, $0xF7A;
	s5 =	simm.s32 @!p2 $0x0  }
0x1d: {  	s5 =	simm.s32 @p1 $0x1;
	p0 =	seq.s32 s7, s2  }
0x1e: {  	s7 =	smul.u32 @!p0 $0xF7A, s2;
	p2 =	seq.s32 @!p0 s5, $0x0  }
0x1f: {  	s9 =	smul.u32 $0xF7A, s1;
	s8 =	simm.s32 @!p0 $0x1BF5;
	p2 =	por !p2, p0  }
0x20: {  	[sflag:s8] =	ssyncset.s32 @!p0 $0xFFFFF086;
	s6 =	sadd.s32 @!p0 s3, s7;
	s7 =	simm.s32 @!p0 $0x108  }
0x21: {  	s3 =	sadd.s32 s3, s9;
	s6 =	sadd.s32 @!p0 $0x88, s6;
	s7 =	simm.s32 @p2 $0x1082  }
0x22: {  	[simem:s7], [sflag:s8] =	dma.local @!p0 [hbm:s6], $0xF7A  }
0x23: {  	s9 =	sor.u32 $0xD0000000, s2;
	s6 =	simm.s32 $0x108;
	_ =	swait.ge @!p0 [sflag:s8], $0x0  }
0x24: {  	s3 =	sadd.s32 $0x88, s3;
	s6 =	simm.s32 @!p1 $0x1082;
	[sflag:s4] =	ssyncset.s32 $0xFFFFF086  }
0x25: {  	[simem:s6], [sflag:s4] =	dma.local [hbm:s3], $0xF7A  }
0x26: {  	[smem:$0x3F9D] =	sst s1;
	(tag) =	ssettag s2;
	_ =	strace s9  }
0x27: {  	s1 =	sld [smem:$0x3FAD]  }
0x28: {  	s2 =	sld [smem:$0x3FAE]  }
0x29: {  	s4 =	sld [smem:$0x3FB0]  }
0x2a: {  	p0 =	seq.s32 s5, $0x0;
	s5 =	sld [smem:$0x3FB1]  }
0x2b: {  	s6 =	sld [smem:$0x3FB2]  }
0x2c: {  	s7 =	sld [smem:$0x3FB3]  }
0x2d: {  	s3 =	simm.s32 $0x108;
	s8 =	sld [smem:$0x3FB4]  }
0x2e: {  	s3 =	simm.s32 @!p0 $0x1082;
	s9 =	sld [smem:$0x3FB5]  }
0x2f: {  	lr =	sadd.s32 s0, s3;
	s0 =	sld [smem:$0x3FAC]  }
0x30: {  	s3 =	sld [smem:$0x3FAF]  }
0x31: {  	[smem:$0x3FB8] =	sst s10  }
0x32: {  	s10 =	sld [smem:$0x3FB6];
	_ =	sdelay $0x3  }
0x33: {  	p0 =	seq.s32 s10, $0x1;
	s10 =	sld [smem:$0x3FB8];
	_ =	sdelay $0x3  }
0x34: {  	[smem:$0x3FB8] =	sst s10  }
0x35: {  	s10 =	sld [smem:$0x3FB7];
	_ =	sdelay $0x3  }
0x36: {  	p1 =	seq.s32 s10, $0x1;
	s10 =	sld [smem:$0x3FB8];
	_ =	sdelay $0x3  }
0x37: {  	[smem:$0x3FB8] =	sst s10  }
0x38: {  	s10 =	sld [smem:$0x3FB9]  }
0x39: {  	_ = 	snop;
	(pc) =	sbr.ind lr, $3  }
0x3a: {  	_ = 	snop  }
0x3b: {  	_ = 	snop  }
0x3c: {  	p2 =	seq.s32 s10, $0x1;
	s10 =	sld [smem:$0x3FB8]  }
0x3d: {  	_ =	shalt  }
0x3e: {  	_ =	shalt  }
0x3f: {  	_ =	shalt  }
0x40: {  	_ =	shalt  }
0x41: {  	_ =	shalt  }
0x42: {  	_ =	shalt  }
0x43: {  	_ =	shalt  }
0x44: {  	_ =	shalt  }
0x45: {  	_ =	shalt  }
0x46: {  	_ =	shalt  }
0x47: {  	_ =	shalt  }
0x48: {  	_ =	shalt  }
0x49: {  	_ =	shalt  }
0x4a: {  	_ =	shalt  }
0x4b: {  	_ =	shalt  }
0x4c: {  	_ =	shalt  }
0x4d: {  	_ =	shalt  }
0x4e: {  	_ =	shalt  }
0x4f: {  	_ =	shalt  }
0x50: {  	_ =	shalt  }
0x51: {  	_ =	shalt  }
0x52: {  	_ =	shalt  }
0x53: {  	_ =	shalt  }
0x54: {  	_ =	shalt  }
0x55: {  	_ =	shalt  }
0x56: {  	_ =	shalt  }
0x57: {  	_ =	shalt  }
0x58: {  	_ =	shalt  }
0x59: {  	_ =	shalt  }
0x5a: {  	_ =	shalt  }
0x5b: {  	_ =	shalt  }
0x5c: {  	_ =	shalt  }
0x5d: {  	_ =	shalt  }
0x5e: {  	_ =	shalt  }
0x5f: {  	_ =	shalt  }
0x60: {  	_ =	shalt  }
0x61: {  	_ =	shalt  }
0x62: {  	_ =	shalt  }
0x63: {  	_ =	shalt  }
0x64: {  	_ =	shalt  }
0x65: {  	_ =	shalt  }
0x66: {  	_ =	shalt  }
0x67: {  	_ =	shalt  }
0x68: {  	_ =	shalt  }
0x69: {  	_ =	shalt  }
0x6a: {  	_ =	shalt  }
0x6b: {  	_ =	shalt  }
0x6c: {  	_ =	shalt  }
0x6d: {  	_ =	shalt  }
0x6e: {  	_ =	shalt  }
0x6f: {  	_ =	shalt  }
0x70: {  	_ =	shalt  }
0x71: {  	_ =	shalt  }
0x72: {  	_ =	shalt  }
0x73: {  	_ =	shalt  }
0x74: {  	_ =	shalt  }
0x75: {  	_ =	shalt  }
0x76: {  	_ =	shalt  }
0x77: {  	_ =	shalt  }
0x78: {  	_ =	shalt  }
0x79: {  	_ =	shalt  }
0x7a: {  	_ =	shalt  }
0x7b: {  	_ =	shalt  }
0x7c: {  	_ =	shalt  }
0x7d: {  	_ =	shalt  }
0x7e: {  	_ =	shalt  }
0x7f: {  	_ =	shalt  }
0x80: {  	_ =	shalt  }
0x81: {  	_ =	shalt  }
0x82: {  	_ =	shalt  }
0x83: {  	_ =	shalt  }
0x84: {  	_ =	shalt  }
0x85: {  	_ =	shalt  }
0x86: {  	_ =	shalt  }
0x87: {  	_ =	shalt  }
.Lfunc_end0:
.L_simem_size_0:
called_computation_lowered:
.L_overlay_start_0:
0x88: {  	s2 =	sld [smem:$0x3FD9]  }
0x89: {  	s3 =	sld [smem:$0x3FFE];
	_ =	sdelay $0x1  }
0x8a: {  	s1 =	srdreg.scid  }
0x8b: {  	s0 =	sand.u32 $0x1, s1  }
0x8c: {  	s17 =	sshll.u32 s0, $0xA;
	s2 =	sadd.s32 s3, s2  }
0x8d: {  	s2 =	sadd.s32 s2, s17  }
0x8e: {  	[smem:$0x3FC4] =	sst s2  }
0x8f: {  	_ = 	snop  }
0x90: {  	s2 =	sld [smem:$0x3FC9]  }
0x91: {  	s18 =	sld [smem:$0x3FC8];
	(tm) =	ssettm $0x1  }
0x92: {  	s4 =	sld [smem:$0x3FFB];
	_ =	sdelay $0x3  }
0x93: {  	_ =	strace s4  }
0x94: {  	s4 =	sld [smem:$0x3FFC];
	_ =	sdelay $0x3  }
0x95: {  	_ =	strace s4  }
0x96: {  	s4 =	sld [smem:$0x3FFD];
	_ =	sdelay $0x3  }
0x97: {  	_ =	strace s4  }
0x98: {  	_ =	strace $0x8FFFFFFF  }
0x99: {  	s19 =	sld [smem:$0x3FDB];
	_ =	sdelay $0x1  }
0x9a: {  	s5 =	simm.s32 $_scs_section_size  }
0x9b: {  	s6 =	simm.s32 $_size__tile_overlayer_lowered;
	s7 =	simm.s32 $_tile_overlayer_lowered  }
0x9c: {  	s22 =	simm.s32 $0x1BFF;
	s21 =	sshll.u32 s7, $0x1;
	s4 =	sadd.s32 s5, s19  }
0x9d: {  	s8 =	simm.s32 $0x0;
	s20 =	sshll.u32 s6, $0x1;
	s6 =	sadd.s32 s21, s4  }
0x9e: {  	[timem:s8], [sflag:s22] =	dma.local [hbm:s6], s20  }
0x9f: {  	_ =	swait.ge [sflag:s22], s20  }
0xa0: {  	s5 =	ssub.s32 $0x0, s20;
	[sflag:s22] =	ssyncset.done $0x0  }
0xa1: {  	[sflag:s22] =	ssyncadd.s32 s5;
	_ =	sdelay $0x1  }
0xa2: {  	s23 =	simm.s32 $0x1B8B  }
0xa3: {  	_ =	swait.ge [sflag:s23], $0x1  }
0xa4: {  	[sflag:s23] =	ssyncset.done $0x0  }
0xa5: {  	s25 =	simm.s32 $0x1B8E;
	s24 =	sld [smem:$0x3FFE];
	[sflag:s23] =	ssyncadd.s32 $0xFFFFFFFF  }
0xa6: {  	s26 =	simm.s32 $execute0_lowered;
	[smem:$0x3FD2] =	sst s25  }
0xa7: {  	s6 =	sshll.u32 s26, $0x1;
	_ =	strace $0x80000046;
	[dreg:$0x1] =	wrdreg $0xFFFFFFFF  }
0xa8: {  	s28 =	simm.s32 $_size_execute0_lowered;
	s4 =	sadd.s32 s4, s6;
	[dreg:$0x0] =	wrdreg $0x0  }
0xa9: {  	s6 =	sshll.u32 s28, $0x1;
	[dreg:$0x2] =	wrdreg s4  }
0xaa: {  	[dreg:$0x3] =	wrdreg s6  }
0xab: {  	[dreg:$0x4] =	wrdreg $0xC0  }
0xac: {  	_ =	task [dreg:s8], $0x5FFFF  }
0xad: {  	[dreg:$0x1] =	wrdreg $0xFFFFFFFF  }
0xae: {  	[dreg:$0x0] =	wrdreg $0x60  }
0xaf: {  	[dreg:$0x2] =	wrdreg s2  }
0xb0: {  	[dreg:$0x3] =	wrdreg s18  }
0xb1: {  	[dreg:$0x4] =	wrdreg s24  }
0xb2: {  	[dreg:$0x5] =	wrdreg $0x112000  }
0xb3: {  	[dreg:$0x6] =	wrdreg $0x9  }
0xb4: {  	_ =	task.clear_ibuf [dreg:s8], $0x7FFFF;
	_ =	strace $0x90000046  }
0xb5: {  	s29 =	simm.s32 $0x9;
	_ =	strace $0x80000048  }
0xb6: {  	_ =	swait.ge [sflag:s29], $0x1  }
0xb7: {  	[sflag:s29] =	ssyncadd.s32 $0xFFFFFFFF  }
0xb8: {  	_ =	strace $0x90000048  }
0xb9: {  	_ =	sfence  }
0xba: {  	s30 =	sld [smem:$0x0];
	_ =	sdelay $0x2  }
0xbb: {  	s31 =	sshll.u32 s1, $0xD;
	s1 =	sshrl.u32 s1, $0x2  }
0xbc: {  	s3 =	sand.u32 $0x4000, s31;
	s1 =	sadd.s32 s1, s30  }
0xbd: {  	s0 =	sor.u32 s3, s0;
	s1 =	sshll.u32 s1, $0x11  }
0xbe: {  	s0 =	sor.u32 s1, s0  }
0xbf: {  	s0 =	sadd.s32 $0x8F2B, s0  }
0xc0: {  	[sflag:s0] =	ssyncadd.remote.s32 $0x1  }
0xc1: {  	_ =	sfence.sel $0xFFFF  }
0xc2: {  	[dreg:$0x0] =	wrdreg $0xFFFFFFFF;
	(pc) =	sbr.abs _section_cstart, $3  }
0xc3: {  	[dreg:$0x1] =	wrdreg $0xFFFFFFFF  }
0xc4: {  	_ =	task.clear_ibuf [dreg:s8], $0x2FFFF;
	_ =	strace $0x9FFFFFFF  }
0xc5: {  	(tm) =	ssettm $0x7FFFFFFF  }
tec
execute0_lowered:
.L_overlay_start_1:
0x0: {  	(tag) =	ssettag $0x1  }
0x1: {  	s0 =	rddreg [dreg:$0x0]  }
0x2: {  	s10 =	rddreg [dreg:$0x1]  }
0x3: {  	s3 =	rddreg [dreg:$0x2]  }
0x4: {  	s1 =	rddreg [dreg:$0x3]  }
0x5: {  	s2 =	simm.s32 $0x0;
	s4 =	srdreg.scid;
	s11 =	stileid.u32  }
0x6: {  	s15 =	simm.s32 $0x8000;
	s28 =	simm.s32 $0x1;
	s29 =	simm.s32 $0x80  }
0x7: {  	s30 =	simm.s32 $0x2;
	s31 =	simm.s32 $0x3;
	[smem:$0x7FF] =	sst s2  }
0x8: {  	s4 =	sand.u32 $0x1, s4;
	s6 =	sshll.u32 s11, $0xA;
	s24 =	sshll.u32 s11, $0xC  }
0x9: {  	s26 =	sshll.u32 s11, $0x5;
	p0 =	sgt.u32 s11, $0x1;
	p1 =	sne.s32 s11, $0x0  }
0xa: {  	_ =	strace $0x80000047;
	s5 =	ssub.s32 $0x2, s4;
	s7 =	sshll.u32 s4, $0x9  }
0xb: {  	s4 =	sshll.u32 s4, $0xA;
	s25 =	sadd.s32 s24, s1;
	s24 =	simm.s32 $0x6  }
0xc: {  	s8 =	sshrl.u32 s5, $0x1;
	s7 =	sor.u32 s7, s6;
	s12 =	sadd.s32 s4, s3  }
0xd: {  	[dreg:$0x5] =	wrdreg s25;
	s25 =	simm.s32 $0x7;
	s13 =	ssub.s32 s5, s8  }
0xe: {  	s16 =	sshll.u32 s7, $0x4;
	s17 =	sor.u32 $0x80, s7;
	s9 =	sor.u32 $0x100, s7  }
0xf: {  	s14 =	sor.u32 $0x180, s7;
	s21 =	sshrl.u32 s7, $0x3;
	s12 =	sadd.s32 $0xA00, s12  }
0x10: {  	s3 =	sadd.s32 s0, s16;
	s18 =	sshll.u32 s17, $0x4;
	s19 =	sshll.u32 s9, $0x4  }
0x11: {  	s20 =	sshll.u32 s14, $0x4;
	s8 =	sshrl.u32 s17, $0x3;
	s7 =	sadd.s32 s10, s21  }
0x12: {  	s22 =	sshrl.u32 s9, $0x3;
	s23 =	sshrl.u32 s14, $0x3;
	s13 =	smax.u32 s13, $0x1  }
0x13: {  	s14 =	simm.s32 $0x4000;
	s16 =	simm.s32 $0xC000;
	s17 =	simm.s32 $0x10000  }
.Ltmp0:
0x14: {  	s21 =	simm.s32 $0x0;
	s4 =	sadd.s32 s0, s18;
	(pc) =	sbr.rel .LBB2_1-.Ltmp0, $4  }
0x15: {  	s5 =	sadd.s32 s0, s19;
	s6 =	sadd.s32 s0, s20;
	s8 =	sadd.s32 s10, s8  }
0x16: {  	s9 =	sadd.s32 s10, s22;
	s10 =	sadd.s32 s10, s23;
	s0 =	sand.u32 $0x20, s26  }
0x17: {  	s18 =	simm.s32 $0x10080;
	s19 =	simm.s32 $0x10100;
	s20 =	simm.s32 $0x10180  }
0x18: {  	v1 =	vimm.f32 $0.0e+00;
	s23 =	simm.s32 $0x5;
	s26 =	simm.s32 $0x8;
	v0 =	vmov s0;
	s0 =	simm.s32 $0x4  }
.LBB2_4:
0x19: {  	[tilespmem:s11+$0x10270] =	vst v1  }
0x1a: {  	[tilespmem:s11+$0x10200] =	vst v1  }
0x1b: {  	[tilespmem:s11+$0x10210] =	vst v1  }
0x1c: {  	[tilespmem:s11+$0x10220] =	vst v1  }
0x1d: {  	[tilespmem:s11+$0x10230] =	vst v1  }
0x1e: {  	[tilespmem:s11+$0x10240] =	vst v1  }
0x1f: {  	[tilespmem:s11+$0x10250] =	vst v1  }
0x20: {  	[tilespmem:s11+$0x10260] =	vst v1  }
0x21: {  	s22 =	simm.s32 $0x10200;
	s11 =	rddreg [dreg:$0x5]  }
0x22: {  	[spmem:s11] =	stream.linear.scatter [tilespmem:s22], [sflag:$0x9], $0x1000, $0x38;
	[tilespmem:$0x11400] =	vst v63  }
0x23: {  	s22 =	simm.s32 $0x9  }
0x24: {  	_ =	swait.ge [sflag:s22], $0x1000  }
0x25: {  	[sflag:s22] =	ssyncset.done $0x0  }
0x26: {  	[sflag:s22] =	ssyncadd.s32 $0xFFFFF000  }
.LBB2_5:
0x27: {  	_ =	swait.ge [sflag:s23], $0x80  }
0x28: {  	[sflag:s23] =	ssyncset.done $0x0  }
0x29: {  	[sflag:s23] =	ssyncadd.s32 $0xFFFFFF80  }
0x2a: {  	_ =	swait.ge [sflag:s24], $0x80  }
0x2b: {  	[sflag:s24] =	ssyncset.done $0x0  }
0x2c: {  	[sflag:s24] =	ssyncadd.s32 $0xFFFFFF80  }
0x2d: {  	_ =	swait.ge [sflag:s25], $0x80  }
0x2e: {  	[sflag:s25] =	ssyncset.done $0x0  }
0x2f: {  	[sflag:s25] =	ssyncadd.s32 $0xFFFFFF80  }
0x30: {  	_ =	swait.ge [sflag:s26], $0x80  }
0x31: {  	[sflag:s26] =	ssyncset.done $0x0  }
0x32: {  	[sflag:s26] =	ssyncadd.s32 $0xFFFFFF80  }
0x33: {  	v2 =	vld [tilespmem:$0x10000]  }
0x34: {  	v3 =	vld [tilespmem:$0x10010]  }
0x35: {  	v4 =	vld [tilespmem:$0x10020]  }
0x36: {  	v5 =	vld [tilespmem:$0x10030]  }
0x37: {  	v6 =	vld [tilespmem:$0x10040]  }
0x38: {  	v7 =	vld [tilespmem:$0x10050];
	v2 =	vadd.s32 v0, v2  }
0x39: {  	[tilespmem:$0x10000] =	vst v2;
	v2 =	vadd.s32 v0, v3;
	v3 =	vld [tilespmem:$0x10060]  }
0x3a: {  	v44 =	vld [tilespmem:$0x10070];
	[tilespmem:$0x10010] =	vst v2;
	v2 =	vadd.s32 v0, v4  }
0x3b: {  	v45 =	vld [tilespmem:$0x10080];
	[tilespmem:$0x10020] =	vst v2;
	v2 =	vadd.s32 v0, v5  }
0x3c: {  	v46 =	vld [tilespmem:$0x10090];
	[tilespmem:$0x10030] =	vst v2;
	v2 =	vadd.s32 v0, v6  }
0x3d: {  	v47 =	vld [tilespmem:$0x100A0];
	[tilespmem:$0x10040] =	vst v2;
	v2 =	vadd.s32 v0, v7  }
0x3e: {  	[tilespmem:$0x10050] =	vst v2;
	v2 =	vadd.s32 v0, v3;
	v3 =	vld [tilespmem:$0x100B0]  }
0x3f: {  	v48 =	vld [tilespmem:$0x100C0];
	[tilespmem:$0x10060] =	vst v2;
	v2 =	vadd.s32 v0, v44  }
0x40: {  	v49 =	vld [tilespmem:$0x100D0];
	[tilespmem:$0x10070] =	vst v2;
	v2 =	vadd.s32 v0, v45  }
0x41: {  	v50 =	vld [tilespmem:$0x100E0];
	[tilespmem:$0x10080] =	vst v2;
	v2 =	vadd.s32 v0, v46  }
0x42: {  	v51 =	vld [tilespmem:$0x100F0];
	[tilespmem:$0x10090] =	vst v2;
	v2 =	vadd.s32 v0, v47  }
0x43: {  	[tilespmem:$0x100A0] =	vst v2;
	v2 =	vadd.s32 v0, v3;
	v3 =	vld [tilespmem:$0x10100]  }
0x44: {  	v52 =	vld [tilespmem:$0x10110];
	[tilespmem:$0x100B0] =	vst v2;
	v2 =	vadd.s32 v0, v48  }
0x45: {  	v53 =	vld [tilespmem:$0x10120];
	[tilespmem:$0x100C0] =	vst v2;
	v2 =	vadd.s32 v0, v49  }
0x46: {  	v54 =	vld [tilespmem:$0x10130];
	[tilespmem:$0x100D0] =	vst v2;
	v2 =	vadd.s32 v0, v50  }
0x47: {  	v55 =	vld [tilespmem:$0x10140];
	[tilespmem:$0x100E0] =	vst v2;
	v2 =	vadd.s32 v0, v51  }
0x48: {  	[tilespmem:$0x100F0] =	vst v2;
	v2 =	vadd.s32 v0, v3;
	v3 =	vld [tilespmem:$0x10150]  }
0x49: {  	v56 =	vld [tilespmem:$0x10160];
	[tilespmem:$0x10100] =	vst v2;
	v2 =	vadd.s32 v0, v52  }
0x4a: {  	v57 =	vld [tilespmem:$0x10170];
	[tilespmem:$0x10110] =	vst v2;
	v2 =	vadd.s32 v0, v53  }
0x4b: {  	v58 =	vld [tilespmem:$0x10180];
	[tilespmem:$0x10120] =	vst v2;
	v2 =	vadd.s32 v0, v54  }
0x4c: {  	v59 =	vld [tilespmem:$0x10190];
	[tilespmem:$0x10130] =	vst v2;
	v2 =	vadd.s32 v0, v55  }
0x4d: {  	[tilespmem:$0x10140] =	vst v2;
	v2 =	vadd.s32 v0, v3;
	v3 =	vld [tilespmem:$0x101A0]  }
0x4e: {  	v60 =	vld [tilespmem:$0x101B0];
	[tilespmem:$0x10150] =	vst v2;
	v2 =	vadd.s32 v0, v56  }
0x4f: {  	v61 =	vld [tilespmem:$0x101C0];
	[tilespmem:$0x10160] =	vst v2;
	v2 =	vadd.s32 v0, v57  }
0x50: {  	v62 =	vld [tilespmem:$0x101D0];
	[tilespmem:$0x10170] =	vst v2;
	v2 =	vadd.s32 v0, v58  }
0x51: {  	v63 =	vld [tilespmem:$0x101E0];
	[tilespmem:$0x10180] =	vst v2;
	v2 =	vadd.s32 v0, v59  }
0x52: {  	[tilespmem:$0x10190] =	vst v2;
	v2 =	vadd.s32 v0, v3;
	v3 =	vld [tilespmem:$0x101F0]  }
0x53: {  	[tilespmem:$0x101A0] =	vst v2;
	v2 =	vadd.s32 v0, v60  }
0x54: {  	[tilespmem:$0x101B0] =	vst v2;
	v2 =	vadd.s32 v0, v61  }
0x55: {  	[tilespmem:$0x101C0] =	vst v2;
	v2 =	vadd.s32 v0, v62  }
0x56: {  	[tilespmem:$0x101D0] =	vst v2;
	v2 =	vadd.s32 v0, v63  }
0x57: {  	[tilespmem:$0x101E0] =	vst v2;
	v2 =	vadd.s32 v0, v3  }
0x58: {  	[tilespmem:$0x101F0] =	vst v2  }
0x59: {  	[bflag:$0x0] =	sbarrier.arrive $0xFFFF  }
0x5a: {  	_ =	swait.ge [sflag:s28], $0x4000  }
0x5b: {  	[sflag:s28] =	ssyncset.done $0x0  }
0x5c: {  	[sflag:s28] =	ssyncadd.s32 $0xFFFFC000  }
0x5d: {  	[spmem:s1] =	stream.indirect.scatter.add.f32 [tilespmem:s2], [sflag:$0x5], $0x80, s17, s29, $0xb8;
	[tilespmem:$0x11400] =	vst v63  }
0x5e: {  	_ =	swait.ge [sflag:s30], $0x4000  }
0x5f: {  	[sflag:s30] =	ssyncset.done $0x0  }
0x60: {  	[sflag:s30] =	ssyncadd.s32 $0xFFFFC000  }
0x61: {  	[spmem:s1] =	stream.indirect.scatter.add.f32 [tilespmem:s14], [sflag:$0x6], $0x80, s18, s29, $0xb8;
	[tilespmem:$0x11400] =	vst v63  }
0x62: {  	_ =	swait.ge [sflag:s31], $0x4000  }
0x63: {  	[sflag:s31] =	ssyncset.done $0x0  }
0x64: {  	[sflag:s31] =	ssyncadd.s32 $0xFFFFC000  }
0x65: {  	[spmem:s1] =	stream.indirect.scatter.add.f32 [tilespmem:s15], [sflag:$0x7], $0x80, s19, s29, $0xb8;
	[tilespmem:$0x11400] =	vst v63  }
0x66: {  	_ =	swait.ge [sflag:s0], $0x4000  }
0x67: {  	[sflag:s0] =	ssyncset.done $0x0  }
0x68: {  	[sflag:s0] =	ssyncadd.s32 $0xFFFFC000  }
0x69: {  	[spmem:s1] =	stream.indirect.scatter.add.f32 [tilespmem:s16], [sflag:$0x8], $0x80, s20, s29, $0xb8;
	[tilespmem:$0x11400] =	vst v63  }
0x6a: {  	_ =	swait.ge [sflag:s23], $0x4000  }
0x6b: {  	[sflag:s23] =	ssyncset.done $0x0  }
0x6c: {  	[sflag:s23] =	ssyncadd.s32 $0xFFFFC000  }
0x6d: {  	_ =	swait.ge [sflag:s24], $0x4000  }
0x6e: {  	[sflag:s24] =	ssyncset.done $0x0  }
0x6f: {  	[sflag:s24] =	ssyncadd.s32 $0xFFFFC000  }
0x70: {  	_ =	swait.ge [sflag:s25], $0x4000  }
0x71: {  	[sflag:s25] =	ssyncset.done $0x0  }
0x72: {  	[sflag:s25] =	ssyncadd.s32 $0xFFFFC000  }
0x73: {  	_ =	swait.ge [sflag:s26], $0x4000  }
0x74: {  	[sflag:s26] =	ssyncset.done $0x0  }
0x75: {  	s11 =	sshrl.u32 @!p1 s1, $0x3;
	s21 =	sadd.s32 $0x1, s21;
	[sflag:s26] =	ssyncadd.s32 $0xFFFFC000  }
0x76: {  	s22 =	simm.s32 @!p1 $0x1C09;
	p2 =	sne.s32 s21, s13;
	[bflag:$0x0] =	sbarrier.arrive $0xFFFF  }
0x77: {  	[hbm:s12], [sflag:s22] =	dma.local @!p1 [spmem:s11], $0x400  }
.Ltmp1:
0x78: {  	_ = 	snop;
	(pc) =	sbr.rel @!p2 .LBB2_6-.Ltmp1, $4  }
0x79: {  	s11 =	simm.s32 @!p1 $0x9  }
0x7a: {  	_ =	swait.ge @!p1 [sflag:s11], $0x400  }
0x7b: {  	[sflag:s11] =	ssyncset.done @!p1 $0x0  }
0x7c: {  	[sflag:s11] =	ssyncadd.s32 @!p1 $0xFFFFFC00  }
.LBB2_1:
0x7d: {  	[tilespmem:s2], [sflag:$0x1] =	stream.linear.gather [hbm4b:s3+s2], $0x4000, $0x38;
	[tilespmem:$0x11400] =	vst v63  }
0x7e: {  	_ = 	snop  }
0x7f: {  	[tilespmem:s14], [sflag:$0x2] =	stream.linear.gather [hbm4b:s4+s2], $0x4000, $0x38;
	[tilespmem:$0x11400] =	vst v63  }
0x80: {  	_ = 	snop  }
0x81: {  	[tilespmem:s15], [sflag:$0x3] =	stream.linear.gather [hbm4b:s5+s2], $0x4000, $0x38;
	[tilespmem:$0x11400] =	vst v63  }
0x82: {  	_ = 	snop  }
0x83: {  	[tilespmem:s16], [sflag:$0x4] =	stream.linear.gather [hbm4b:s6+s2], $0x4000, $0x38;
	[tilespmem:$0x11400] =	vst v63  }
0x84: {  	_ = 	snop  }
0x85: {  	[tilespmem:s17], [sflag:$0x5] =	stream.linear.gather [hbm4b:s7+s2], $0x80, $0x38;
	[tilespmem:$0x11400] =	vst v63  }
0x86: {  	_ = 	snop  }
0x87: {  	[tilespmem:s18], [sflag:$0x6] =	stream.linear.gather [hbm4b:s8+s2], $0x80, $0x38;
	[tilespmem:$0x11400] =	vst v63  }
.Ltmp2:
0x88: {  	_ = 	snop;
	(pc) =	sbr.rel @p0 .LBB2_5-.Ltmp2, $4  }
0x89: {  	_ = 	snop  }
0x8a: {  	[tilespmem:s19], [sflag:$0x7] =	stream.linear.gather [hbm4b:s9+s2], $0x80, $0x38;
	[tilespmem:$0x11400] =	vst v63  }
0x8b: {  	_ = 	snop  }
0x8c: {  	[tilespmem:s20], [sflag:$0x8] =	stream.linear.gather [hbm4b:s10+s2], $0x80, $0x38;
	[tilespmem:$0x11400] =	vst v63  }
0x8d: {  	s11 =	sshra.s32 s2, $0x2;
	s22 =	sadd.s32 $0x200, s2  }
.LBB2_3:
0x8e: {  	p2 =	sne.s32 s22, $0x3E00;
	[tilespmem:s11+$0x10270] =	vst v1  }
0x8f: {  	[tilespmem:s11+$0x10200] =	vst v1  }
0x90: {  	[tilespmem:s11+$0x10210] =	vst v1  }
.Ltmp3:
0x91: {  	[tilespmem:s11+$0x10220] =	vst v1;
	(pc) =	sbr.rel @p2 .LBB2_3-.Ltmp3, $4  }
0x92: {  	[tilespmem:s11+$0x10230] =	vst v1  }
0x93: {  	[tilespmem:s11+$0x10240] =	vst v1  }
0x94: {  	[tilespmem:s11+$0x10250] =	vst v1  }
0x95: {  	[tilespmem:s11+$0x10260] =	vst v1;
	s11 =	sshra.s32 s22, $0x2;
	s22 =	sadd.s32 $0x200, s22  }
.Ltmp4:
0x96: {  	_ = 	snop;
	(pc) =	sbr.rel .LBB2_4-.Ltmp4, $1  }
0x97: {  	_ =	sdelay $0x3  }
.LBB2_6:
0x98: {  	_ =	sfence.sel $0x180000  }
0x99: {  	[bflag:$0x0] =	sbarrier.arrive $0xFFFF  }
0x9a: {  	_ =	strace $0x90000047  }
0x9b: {  	[bflag:$0x2] =	sbarrier.arrive $0xFFFF  }
0x9c: {  	s0 =	rddreg [dreg:$0x4]  }
0x9d: {  	s0 =	sadd.s32 @!p1 $0x100000, s0  }
0x9e: {  	[sflag:s0] =	ssyncadd.tile.s32 @!p1 $0x1;
	_ =	shalt  }
.Lfunc_end2:
_tile_overlayer_lowered:
.L_overlay_start_2:
0x9f: {  	(tag) =	ssettag $0x2  }
0xa0: {  	s0 =	rddreg [dreg:$0x0];
	s2 =	stileid.u32  }
0xa1: {  	s1 =	rddreg [dreg:$0x1];
	p0 =	sne.s32 s2, $0x0  }
0xa2: {  	s3 =	rddreg [dreg:$0x2];
	[bflag:$0x3] =	sbarrier.arrive $0xFFFF;
	s2 =	simm.s32 @!p0 $0x1C09  }
0xa3: {  	[timem:s3], [sflag:s2] =	dma.local @!p0 [hbm:s0], s1  }
0xa4: {  	s0 =	simm.s32 @!p0 $0x9  }
0xa5: {  	_ =	swait.ge @!p0 [sflag:s0], s1  }
0xa6: {  	s1 =	ssub.s32 @!p0 $0x0, s1;
	[sflag:s0] =	ssyncset.done @!p0 $0x0  }
0xa7: {  	[sflag:s0] =	ssyncadd.s32 @!p0 s1  }
0xa8: {  	[bflag:$0x3] =	sbarrier.arrive $0xFFFF  }
0xa9: {  	_ =	shalt  }

</sc_bundles>
